<compile_context>
chip_gen: v7x
topology: tpu7x:2x2x1
jax: 0.10.2.dev20260603
libtpu: 0.0.44.dev20260713+nightly
codegen_flags: <defaults>
</compile_context>

<pallas_src>
import functools

import jax
import jax.numpy as jnp
from jax import lax
from jax.experimental import pallas as pl
from jax.experimental.pallas import tpu as pltpu
from jax.experimental.pallas import tpu_sc as plsc

ALPHA = 0.2
BPB = 8
WIN = 72
NTILES = 32
CHUNK = 16


def _attn_kernel(offsets_ref, cxt_ref, mask_ref, feat_ref, w_ref, a2_ref,
                 out_ref, wa_ref):
    g = pl.program_id(0)
    nn = cxt_ref.shape[2]
    nrows = feat_ref.shape[0]

    @pl.when(g == 0)
    def _():
        wa_ref[...] = jnp.dot(w_ref[:], a2_ref[:].T,
                              preferred_element_type=jnp.float32)

    wa = wa_ref[...]
    feat_prog = feat_ref[pl.ds(g * BPB * nn, BPB * nn), :]
    st_t = jax.lax.dot_general(wa, feat_prog, (((0,), (1,)), ((), ())),
                               preferred_element_type=jnp.float32)

    iota_sub = jax.lax.broadcasted_iota(jnp.int32, (1, WIN, 1), 1)
    cols = []
    for k in range(BPB):
        b = g * BPB + k
        off = offsets_ref[b]
        base = jnp.minimum((off // 8) * 8, nrows - WIN)
        r = off - base

        win = feat_ref[pl.ds(base, WIN), :]
        tw = jnp.dot(win, wa[:, 1:2], preferred_element_type=jnp.float32)

        cxt = cxt_ref[k] + r
        m = mask_ref[k]
        ohm = jnp.where(cxt[:, None, :] == iota_sub, m[:, None, :], 0.0)
        tg = jnp.sum(ohm * tw[None, :, :], axis=1)

        s_row = st_t[0:1, k * nn:(k + 1) * nn]
        t_row = st_t[1:2, k * nn:(k + 1) * nn]
        e = jnp.concatenate([s_row + t_row, s_row + tg], axis=0)
        e = jnp.where(e >= 0, e, ALPHA * e)
        e = e - jnp.max(e, axis=0, keepdims=True)
        ex = jnp.exp(e)
        attn = ex / jnp.sum(ex, axis=0, keepdims=True)
        wts = jnp.concatenate(
            [attn[0:1, :], attn[1:, :] * m, jnp.zeros((2, nn), jnp.float32)],
            axis=0)
        cols.append(wts)
    out_ref[...] = jnp.concatenate(cols, axis=1)


@functools.partial(
    pl.kernel,
    mesh=plsc.VectorSubcoreMesh(core_axis_name="c", subcore_axis_name="s"),
    out_type=jax.ShapeDtypeStruct((4096, 128), jnp.float32),
    scratch_types=[
        pltpu.VMEM((6 * CHUNK,), jnp.int32),
        pltpu.VMEM((6 * CHUNK + 16,), jnp.float32),
        pltpu.VMEM((6 * CHUNK, 128), jnp.float32),
        pltpu.VMEM((CHUNK, 128), jnp.float32),
        pltpu.SemaphoreType.DMA,
    ],
)
def _sc_mix(feat_hbm, gidx_hbm, w_hbm, out_hbm, idx_v, w_v, rows_v, acc_v,
            sem):
    wid = lax.axis_index("s") * 2 + lax.axis_index("c")
    node0 = wid * (4096 // NTILES)

    def chunk_body(ci, carry):
        nbase = node0 + ci * CHUNK
        fbase = nbase * 6
        pltpu.sync_copy(gidx_hbm.at[pl.ds(fbase, 6 * CHUNK)], idx_v)
        pltpu.sync_copy(w_hbm.at[pl.ds(fbase, 6 * CHUNK)],
                        w_v.at[pl.ds(0, 6 * CHUNK)])
        pltpu.async_copy(feat_hbm.at[idx_v], rows_v, sem).wait()

        def node_body(nl, c2):
            row0 = nl * 6
            wv = w_v[pl.ds(row0, 16)]
            for l in range(8):
                sl = pl.ds(l * 16, 16)
                acc = wv[0] * rows_v[row0, sl]
                for c in range(1, 6):
                    acc = acc + wv[c] * rows_v[row0 + c, sl]
                acc_v[nl, sl] = acc
            return c2

        lax.fori_loop(0, CHUNK, node_body, 0)
        pltpu.sync_copy(acc_v, out_hbm.at[pl.ds(nbase, CHUNK)])
        return carry

    lax.fori_loop(0, (4096 // NTILES) // CHUNK, chunk_body, 0)


def _mm_kernel(mixed_ref, w_ref, out_ref):
    h = jnp.dot(mixed_ref[...], w_ref[...],
                preferred_element_type=jnp.float32)
    out_ref[...] = jnp.where(h >= 0, h, jnp.exp(jnp.minimum(h, 0.0)) - 1.0)


@jax.jit
def _run(feature, cxt_t, offsets, mask_t, W, a2d, gidx_flat):
    bs, nper = cxt_t.shape[0], cxt_t.shape[2]
    rows, out_f = bs * nper, W.shape[1]

    attn_t = pl.pallas_call(
        _attn_kernel,
        grid_spec=pltpu.PrefetchScalarGridSpec(
            num_scalar_prefetch=1,
            grid=(bs // BPB,),
            in_specs=[
                pl.BlockSpec((BPB, 5, nper), lambda g, *_: (g, 0, 0)),
                pl.BlockSpec((BPB, 5, nper), lambda g, *_: (g, 0, 0)),
                pl.BlockSpec(feature.shape, lambda g, *_: (0, 0)),
                pl.BlockSpec(W.shape, lambda g, *_: (0, 0)),
                pl.BlockSpec(a2d.shape, lambda g, *_: (0, 0)),
            ],
            out_specs=pl.BlockSpec((8, BPB * nper), lambda g, *_: (0, g)),
            scratch_shapes=[pltpu.VMEM((feature.shape[1], 2), jnp.float32)],
        ),
        out_shape=jax.ShapeDtypeStruct((8, rows), jnp.float32),
    )(offsets, cxt_t, mask_t, feature, W, a2d)

    w_flat = attn_t[:6].T.reshape(-1)
    mixed = _sc_mix(feature, gidx_flat, w_flat)

    return pl.pallas_call(
        _mm_kernel,
        grid=(bs // BPB,),
        in_specs=[
            pl.BlockSpec((BPB * nper, feature.shape[1]), lambda g: (g, 0)),
            pl.BlockSpec(W.shape, lambda g: (0, 0)),
        ],
        out_specs=pl.BlockSpec((BPB * nper, out_f), lambda g: (g, 0)),
        out_shape=jax.ShapeDtypeStruct((rows, out_f), jnp.float32),
    )(mixed, W)


def kernel(feature, cxt_idx, offset_idx, cxt_idx_mask, bs, n, W, a):
    out_f = W.shape[1]
    maskf = (cxt_idx_mask
             & (jnp.asarray(bs) > 0)
             & (jnp.asarray(n) > 0)).astype(jnp.float32)
    offsets = offset_idx.reshape(-1).astype(jnp.int32)
    a2d = a.reshape(2, out_f)
    rows = feature.shape[0]
    self_idx = jnp.arange(rows, dtype=jnp.int32)[:, None]
    nbr_idx = (offset_idx + cxt_idx).reshape(rows, 5).astype(jnp.int32)
    gidx_flat = jnp.concatenate([self_idx, nbr_idx], axis=1).reshape(-1)
    return _run(feature, cxt_idx.transpose(0, 2, 1), offsets,
                maskf.transpose(0, 2, 1), W, a2d, gidx_flat)

# --- scband reference (transcript-rebuilt; emitter-appended) ---
"""Pipeline reference for scband-graph-attention-layer-75935021794158 (READ-ONLY COPY).

The authoritative reference and input builder live on the scoring server;
editing this copy changes nothing except your own understanding.
"""

import jax, jax.numpy as jnp
import numpy as np

BS, N = 64, 64
IN_F, OUT_F = 128, 2048
ALPHA = 0.2

def setup_inputs(seed: int = 0) -> dict:
    key = jax.random.key(seed)
    ks = jax.random.split(key, 6)
    feature = jax.random.normal(ks[0], (BS * N, IN_F), dtype=jnp.float32)
    cxt_idx = jax.random.randint(ks[1], (BS, N, 5), 0, N, dtype=jnp.int32)
    offset_idx = jax.random.randint(ks[2], (BS, 1, 1), 0, BS * N - N, dtype=jnp.int32)
    cxt_idx_mask = jnp.ones((BS, N, 5), dtype=bool)
    w_scale = 1.414 * np.sqrt(6.0 / (IN_F + OUT_F))
    a_scale = 1.414 * np.sqrt(6.0 / (2 * OUT_F + 1))
    W = jax.random.uniform(ks[3], (IN_F, OUT_F), dtype=jnp.float32, minval=-w_scale, maxval=w_scale)
    a = jax.random.uniform(ks[4], (2 * OUT_F, 1), dtype=jnp.float32, minval=-a_scale, maxval=a_scale)
    return {"feature": feature, "cxt_idx": cxt_idx, "offset_idx": offset_idx,
            "cxt_idx_mask": cxt_idx_mask, "bs": BS, "n": N, "W": W, "a": a}

def reference(feature, cxt_idx, offset_idx, cxt_idx_mask, bs, n, W, a):
    out_f = W.shape[1]
    bs_s, n_s = cxt_idx_mask.shape[0], cxt_idx_mask.shape[1]
    mask = jnp.logical_and(cxt_idx_mask, jnp.logical_and(bs > 0, n > 0))
    hidden = feature @ W  # (bs*n, out_f)
    idx = (offset_idx + cxt_idx).reshape(-1)
    cxt = jnp.take(hidden, idx, axis=0)  # gather: (bs*n*5, out_f)
    cxt = cxt.reshape(bs_s, n_s, 5, -1) * mask[..., None].astype(jnp.float32)
    cxt = cxt.reshape(bs_s * n_s, -1)
    node_and_neighbor = jnp.concatenate([hidden, cxt], axis=1).reshape(bs_s * n_s * 6, out_f)
    repeat_hidden = jnp.tile(hidden, (1, 6)).reshape(-1, out_f)
    concat = jnp.concatenate([repeat_hidden, node_and_neighbor], axis=1).reshape(bs_s * n_s, 6, -1)
    e = jax.nn.leaky_relu(jnp.matmul(concat, a).squeeze(2), negative_slope=ALPHA)
    attention = jax.nn.softmax(e, axis=1)  # dropout skipped (eval mode)
    nan6 = node_and_neighbor.reshape(bs_s * n_s, 6, out_f)
    h_prime = jnp.einsum('ij,ijk->ik', attention, nan6)
    return jax.nn.elu(h_prime)

if __name__ == "__main__":
    import jax
    _d = setup_inputs()
    print(jax.jit(kernel)(*tuple(_d.values())))

</pallas_src>

<mosaic_0001>
#map = affine_map<(d0, d1) -> (0, 0)>
#map1 = affine_map<(d0, d1) -> (0)>
module attributes {stable_mosaic.version = 14 : i64} {
  func.func @_sc_mix(%arg0: i32, %arg1: i32, %arg2: memref<4096x128xf32, #tpu.memory_space<hbm>>, %arg3: memref<24576xi32, #tpu.memory_space<hbm>>, %arg4: memref<24576xf32, #tpu.memory_space<hbm>>, %arg5: memref<4096x128xf32, #tpu.memory_space<hbm>>, %arg6: memref<96xi32, #tpu.memory_space<vmem>>, %arg7: memref<112xf32, #tpu.memory_space<vmem>>, %arg8: memref<96x128xf32, #tpu.memory_space<vmem>>, %arg9: memref<16x128xf32, #tpu.memory_space<vmem>>, %arg10: memref<!tpu.dma_semaphore, #tpu.memory_space<semaphore_mem>>) attributes {dimension_semantics = [#tpu.dimension_semantics<core_parallel>, #tpu.dimension_semantics<subcore_parallel>], iteration_bounds = array<i64: 2, 16>, scalar_prefetch = 0 : i64, scratch_operands = 5 : i64, tpu.core_type = #tpu.core_type<sc_vector_subcore>, window_params = [{transform_indices = #map}, {transform_indices = #map1}, {transform_indices = #map1}, {transform_indices = #map}]} {
    %mul3A = arith.constant 2 : i32
    %mul3A_0 = arith.muli %arg1, %mul3A : i32
    %add3A = arith.addi %mul3A_0, %arg0 : i32
    %mul3A_1 = arith.constant 128 : i32
    %mul3A_2 = arith.muli %add3A, %mul3A_1 : i32
    %scan3A = arith.constant 0 : i32
    %scan3A_3 = arith.constant 0 : i32
    %scan3A_4 = arith.constant 8 : i32
    %scan3A_5 = arith.addi %scan3A_3, %scan3A_4 : i32
    %scan3A_6 = arith.constant 1 : i32
    scf.for %scan3A_8 = %scan3A_3 to %scan3A_5 step %scan3A_6  : i32 {
      %mul3A_9 = arith.constant 16 : i32
      %mul3A_10 = arith.muli %scan3A_8, %mul3A_9 : i32
      %add3A_11 = arith.addi %mul3A_2, %mul3A_10 : i32
      %mul3A_12 = arith.constant 6 : i32
      %mul3A_13 = arith.muli %add3A_11, %mul3A_12 : i32
      "tpu.region"() ({
        %run_scoped3A = tpu.sem_alloc : memref<!tpu.dma_semaphore, #tpu.memory_space<semaphore_mem>>
        %dma_start3A_24 = tpu.memref_slice %arg3[%mul3A_13] : memref<24576xi32, #tpu.memory_space<hbm>> -> memref<96xi32, #tpu.memory_space<hbm>>
        %dma_start3A_25 = tpu.memref_slice %arg3[%mul3A_13] : memref<24576xi32, #tpu.memory_space<hbm>> -> memref<96xi32, #tpu.memory_space<hbm>>
        tpu.enqueue_dma source(%dma_start3A_25 : memref<96xi32, #tpu.memory_space<hbm>>) target(%arg6 : memref<96xi32, #tpu.memory_space<vmem>>) target_semaphore(%run_scoped3A : memref<!tpu.dma_semaphore, #tpu.memory_space<semaphore_mem>>)
        %dma_wait3A_26 = tpu.memref_slice %arg3[%mul3A_13] : memref<24576xi32, #tpu.memory_space<hbm>> -> memref<96xi32, #tpu.memory_space<hbm>>
        %dma_wait3A_27 = tpu.memref_slice %arg3[%mul3A_13] : memref<24576xi32, #tpu.memory_space<hbm>> -> memref<96xi32, #tpu.memory_space<hbm>>
        tpu.wait_dma2 semaphore(%run_scoped3A : memref<!tpu.dma_semaphore, #tpu.memory_space<semaphore_mem>>) src(%dma_wait3A_27 : memref<96xi32, #tpu.memory_space<hbm>>) dst(%arg6 : memref<96xi32, #tpu.memory_space<vmem>>)
        tpu.yield
      }) : () -> ()
      "tpu.region"() ({
        %run_scoped3A = tpu.sem_alloc : memref<!tpu.dma_semaphore, #tpu.memory_space<semaphore_mem>>
        %dma_start3A_24 = arith.constant 0 : i32
        %dma_start3A_25 = tpu.memref_slice %arg7[%dma_start3A_24] : memref<112xf32, #tpu.memory_space<vmem>> -> memref<96xf32, #tpu.memory_space<vmem>>
        %dma_start3A_26 = tpu.memref_slice %arg4[%mul3A_13] : memref<24576xf32, #tpu.memory_space<hbm>> -> memref<96xf32, #tpu.memory_space<hbm>>
        %dma_start3A_27 = arith.constant 0 : i32
        %dma_start3A_28 = tpu.memref_slice %arg7[%dma_start3A_27] : memref<112xf32, #tpu.memory_space<vmem>> -> memref<96xf32, #tpu.memory_space<vmem>>
        %dma_start3A_29 = tpu.memref_slice %arg4[%mul3A_13] : memref<24576xf32, #tpu.memory_space<hbm>> -> memref<96xf32, #tpu.memory_space<hbm>>
        tpu.enqueue_dma source(%dma_start3A_29 : memref<96xf32, #tpu.memory_space<hbm>>) target(%dma_start3A_28 : memref<96xf32, #tpu.memory_space<vmem>>) target_semaphore(%run_scoped3A : memref<!tpu.dma_semaphore, #tpu.memory_space<semaphore_mem>>)
        %dma_wait3A_30 = arith.constant 0 : i32
        %dma_wait3A_31 = tpu.memref_slice %arg7[%dma_wait3A_30] : memref<112xf32, #tpu.memory_space<vmem>> -> memref<96xf32, #tpu.memory_space<vmem>>
        %dma_wait3A_32 = tpu.memref_slice %arg4[%mul3A_13] : memref<24576xf32, #tpu.memory_space<hbm>> -> memref<96xf32, #tpu.memory_space<hbm>>
        %dma_wait3A_33 = arith.constant 0 : i32
        %dma_wait3A_34 = tpu.memref_slice %arg7[%dma_wait3A_33] : memref<112xf32, #tpu.memory_space<vmem>> -> memref<96xf32, #tpu.memory_space<vmem>>
        %dma_wait3A_35 = tpu.memref_slice %arg4[%mul3A_13] : memref<24576xf32, #tpu.memory_space<hbm>> -> memref<96xf32, #tpu.memory_space<hbm>>
        tpu.wait_dma2 semaphore(%run_scoped3A : memref<!tpu.dma_semaphore, #tpu.memory_space<semaphore_mem>>) src(%dma_wait3A_35 : memref<96xf32, #tpu.memory_space<hbm>>) dst(%dma_wait3A_34 : memref<96xf32, #tpu.memory_space<vmem>>)
        tpu.yield
      }) : () -> ()
      %dma_start3A = arith.constant 0 : i32
      %dma_start3A_14 = arith.constant 0 : i32
      %dma_start3A_15 = tpu.memref_slice %arg2[%dma_start3A, %dma_start3A_14] : memref<4096x128xf32, #tpu.memory_space<hbm>> -> memref<4096x128xf32, #tpu.memory_space<hbm>>
      tpu.enqueue_indirect_dma source(%dma_start3A_15 : memref<4096x128xf32, #tpu.memory_space<hbm>>) target(%arg8 : memref<96x128xf32, #tpu.memory_space<vmem>>) offsets(%arg6 : memref<96xi32, #tpu.memory_space<vmem>>) semaphore(%arg10 : memref<!tpu.dma_semaphore, #tpu.memory_space<semaphore_mem>>)
      %dma_wait3A = arith.constant 0 : i32
      %dma_wait3A_16 = arith.constant 0 : i32
      %dma_wait3A_17 = tpu.memref_slice %arg2[%dma_wait3A, %dma_wait3A_16] : memref<4096x128xf32, #tpu.memory_space<hbm>> -> memref<4096x128xf32, #tpu.memory_space<hbm>>
      tpu.wait_indirect_dma semaphore(%arg10 : memref<!tpu.dma_semaphore, #tpu.memory_space<semaphore_mem>>) src(%dma_wait3A_17 : memref<4096x128xf32, #tpu.memory_space<hbm>>) dst(%arg8 : memref<96x128xf32, #tpu.memory_space<vmem>>)
      %scan3A_18 = arith.constant 0 : i32
      %scan3A_19 = arith.constant 0 : i32
      %scan3A_20 = arith.constant 16 : i32
      %scan3A_21 = arith.addi %scan3A_19, %scan3A_20 : i32
      %scan3A_22 = arith.constant 1 : i32
      scf.for %scan3A_24 = %scan3A_19 to %scan3A_21 step %scan3A_22  : i32 {
        %mul3A_25 = arith.constant 6 : i32
        %mul3A_26 = arith.muli %scan3A_24, %mul3A_25 : i32
        %get3A = arith.index_cast %mul3A_26 : i32 to index
        %get3A_27 = tpu.vector_load %arg7[%get3A] {strides = array<i32>} : memref<112xf32, #tpu.memory_space<vmem>>, vector<16xf32>,
        %get3A_28 = vector.shape_cast %get3A_27 : vector<16xf32> to vector<16xf32>
        %slice3A = vector.extract_strided_slice %get3A_28 {offsets = [0], sizes = [1], strides = [1]} : vector<16xf32> to vector<1xf32>
        %squeeze3A = vector.extract %slice3A[0] : f32 from vector<1xf32>
        %get3A_29 = arith.index_cast %mul3A_26 : i32 to index
        %get3A_30 = arith.constant 0 : index
        %get3A_31 = tpu.vector_load %arg8[%get3A_29, %get3A_30] {strides = array<i32>} : memref<96x128xf32, #tpu.memory_space<vmem>>, vector<1x16xf32>,
        %get3A_32 = vector.shape_cast %get3A_31 : vector<1x16xf32> to vector<16xf32>
        %mul3A_33 = vector.broadcast %squeeze3A : f32 to vector<16xf32>
        %mul3A_34 = arith.mulf %mul3A_33, %get3A_32 : vector<16xf32>
        %slice3A_35 = vector.extract_strided_slice %get3A_28 {offsets = [1], sizes = [1], strides = [1]} : vector<16xf32> to vector<1xf32>
        %squeeze3A_36 = vector.extract %slice3A_35[0] : f32 from vector<1xf32>
        %add3A_37 = arith.constant 1 : i32
        %add3A_38 = arith.addi %mul3A_26, %add3A_37 : i32
        %get3A_39 = arith.index_cast %add3A_38 : i32 to index
        %get3A_40 = arith.constant 0 : index
        %get3A_41 = tpu.vector_load %arg8[%get3A_39, %get3A_40] {strides = array<i32>} : memref<96x128xf32, #tpu.memory_space<vmem>>, vector<1x16xf32>,
        %get3A_42 = vector.shape_cast %get3A_41 : vector<1x16xf32> to vector<16xf32>
        %mul3A_43 = vector.broadcast %squeeze3A_36 : f32 to vector<16xf32>
        %mul3A_44 = arith.mulf %mul3A_43, %get3A_42 : vector<16xf32>
        %add3A_45 = arith.addf %mul3A_34, %mul3A_44 : vector<16xf32>
        %slice3A_46 = vector.extract_strided_slice %get3A_28 {offsets = [2], sizes = [1], strides = [1]} : vector<16xf32> to vector<1xf32>
        %squeeze3A_47 = vector.extract %slice3A_46[0] : f32 from vector<1xf32>
        %add3A_48 = arith.constant 2 : i32
        %add3A_49 = arith.addi %mul3A_26, %add3A_48 : i32
        %get3A_50 = arith.index_cast %add3A_49 : i32 to index
        %get3A_51 = arith.constant 0 : index
        %get3A_52 = tpu.vector_load %arg8[%get3A_50, %get3A_51] {strides = array<i32>} : memref<96x128xf32, #tpu.memory_space<vmem>>, vector<1x16xf32>,
        %get3A_53 = vector.shape_cast %get3A_52 : vector<1x16xf32> to vector<16xf32>
        %mul3A_54 = vector.broadcast %squeeze3A_47 : f32 to vector<16xf32>
        %mul3A_55 = arith.mulf %mul3A_54, %get3A_53 : vector<16xf32>
        %add3A_56 = arith.addf %add3A_45, %mul3A_55 : vector<16xf32>
        %slice3A_57 = vector.extract_strided_slice %get3A_28 {offsets = [3], sizes = [1], strides = [1]} : vector<16xf32> to vector<1xf32>
        %squeeze3A_58 = vector.extract %slice3A_57[0] : f32 from vector<1xf32>
        %add3A_59 = arith.constant 3 : i32
        %add3A_60 = arith.addi %mul3A_26, %add3A_59 : i32
        %get3A_61 = arith.index_cast %add3A_60 : i32 to index
        %get3A_62 = arith.constant 0 : index
        %get3A_63 = tpu.vector_load %arg8[%get3A_61, %get3A_62] {strides = array<i32>} : memref<96x128xf32, #tpu.memory_space<vmem>>, vector<1x16xf32>,
        %get3A_64 = vector.shape_cast %get3A_63 : vector<1x16xf32> to vector<16xf32>
        %mul3A_65 = vector.broadcast %squeeze3A_58 : f32 to vector<16xf32>
        %mul3A_66 = arith.mulf %mul3A_65, %get3A_64 : vector<16xf32>
        %add3A_67 = arith.addf %add3A_56, %mul3A_66 : vector<16xf32>
        %slice3A_68 = vector.extract_strided_slice %get3A_28 {offsets = [4], sizes = [1], strides = [1]} : vector<16xf32> to vector<1xf32>
        %squeeze3A_69 = vector.extract %slice3A_68[0] : f32 from vector<1xf32>
        %add3A_70 = arith.constant 4 : i32
        %add3A_71 = arith.addi %mul3A_26, %add3A_70 : i32
        %get3A_72 = arith.index_cast %add3A_71 : i32 to index
        %get3A_73 = arith.constant 0 : index
        %get3A_74 = tpu.vector_load %arg8[%get3A_72, %get3A_73] {strides = array<i32>} : memref<96x128xf32, #tpu.memory_space<vmem>>, vector<1x16xf32>,
        %get3A_75 = vector.shape_cast %get3A_74 : vector<1x16xf32> to vector<16xf32>
        %mul3A_76 = vector.broadcast %squeeze3A_69 : f32 to vector<16xf32>
        %mul3A_77 = arith.mulf %mul3A_76, %get3A_75 : vector<16xf32>
        %add3A_78 = arith.addf %add3A_67, %mul3A_77 : vector<16xf32>
        %slice3A_79 = vector.extract_strided_slice %get3A_28 {offsets = [5], sizes = [1], strides = [1]} : vector<16xf32> to vector<1xf32>
        %squeeze3A_80 = vector.extract %slice3A_79[0] : f32 from vector<1xf32>
        %add3A_81 = arith.constant 5 : i32
        %add3A_82 = arith.addi %mul3A_26, %add3A_81 : i32
        %get3A_83 = arith.index_cast %add3A_82 : i32 to index
        %get3A_84 = arith.constant 0 : index
        %get3A_85 = tpu.vector_load %arg8[%get3A_83, %get3A_84] {strides = array<i32>} : memref<96x128xf32, #tpu.memory_space<vmem>>, vector<1x16xf32>,
        %get3A_86 = vector.shape_cast %get3A_85 : vector<1x16xf32> to vector<16xf32>
        %mul3A_87 = vector.broadcast %squeeze3A_80 : f32 to vector<16xf32>
        %mul3A_88 = arith.mulf %mul3A_87, %get3A_86 : vector<16xf32>
        %add3A_89 = arith.addf %add3A_78, %mul3A_88 : vector<16xf32>
        %swap3A = arith.index_cast %scan3A_24 : i32 to index
        %swap3A_90 = arith.constant 0 : index
        %swap3A_91 = tpu.vector_load %arg9[%swap3A, %swap3A_90] {strides = array<i32>} : memref<16x128xf32, #tpu.memory_space<vmem>>, vector<1x16xf32>,
        %swap3A_92 = vector.shape_cast %swap3A_91 : vector<1x16xf32> to vector<16xf32>
        %swap3A_93 = vector.shape_cast %add3A_89 : vector<16xf32> to vector<1x16xf32>
        tpu.vector_store %arg9[%swap3A, %swap3A_90], %swap3A_93 {strides = array<i32>} : memref<16x128xf32, #tpu.memory_space<vmem>>, vector<1x16xf32>,
        %slice3A_94 = vector.extract_strided_slice %get3A_28 {offsets = [0], sizes = [1], strides = [1]} : vector<16xf32> to vector<1xf32>
        %squeeze3A_95 = vector.extract %slice3A_94[0] : f32 from vector<1xf32>
        %get3A_96 = arith.index_cast %mul3A_26 : i32 to index
        %get3A_97 = arith.constant 16 : index
        %get3A_98 = tpu.vector_load %arg8[%get3A_96, %get3A_97] {strides = array<i32>} : memref<96x128xf32, #tpu.memory_space<vmem>>, vector<1x16xf32>,
        %get3A_99 = vector.shape_cast %get3A_98 : vector<1x16xf32> to vector<16xf32>
        %mul3A_100 = vector.broadcast %squeeze3A_95 : f32 to vector<16xf32>
        %mul3A_101 = arith.mulf %mul3A_100, %get3A_99 : vector<16xf32>
        %slice3A_102 = vector.extract_strided_slice %get3A_28 {offsets = [1], sizes = [1], strides = [1]} : vector<16xf32> to vector<1xf32>
        %squeeze3A_103 = vector.extract %slice3A_102[0] : f32 from vector<1xf32>
        %add3A_104 = arith.constant 1 : i32
        %add3A_105 = arith.addi %mul3A_26, %add3A_104 : i32
        %get3A_106 = arith.index_cast %add3A_105 : i32 to index
        %get3A_107 = arith.constant 16 : index
        %get3A_108 = tpu.vector_load %arg8[%get3A_106, %get3A_107] {strides = array<i32>} : memref<96x128xf32, #tpu.memory_space<vmem>>, vector<1x16xf32>,
        %get3A_109 = vector.shape_cast %get3A_108 : vector<1x16xf32> to vector<16xf32>
        %mul3A_110 = vector.broadcast %squeeze3A_103 : f32 to vector<16xf32>
        %mul3A_111 = arith.mulf %mul3A_110, %get3A_109 : vector<16xf32>
        %add3A_112 = arith.addf %mul3A_101, %mul3A_111 : vector<16xf32>
        %slice3A_113 = vector.extract_strided_slice %get3A_28 {offsets = [2], sizes = [1], strides = [1]} : vector<16xf32> to vector<1xf32>
        %squeeze3A_114 = vector.extract %slice3A_113[0] : f32 from vector<1xf32>
        %add3A_115 = arith.constant 2 : i32
        %add3A_116 = arith.addi %mul3A_26, %add3A_115 : i32
        %get3A_117 = arith.index_cast %add3A_116 : i32 to index
        %get3A_118 = arith.constant 16 : index
        %get3A_119 = tpu.vector_load %arg8[%get3A_117, %get3A_118] {strides = array<i32>} : memref<96x128xf32, #tpu.memory_space<vmem>>, vector<1x16xf32>,
        %get3A_120 = vector.shape_cast %get3A_119 : vector<1x16xf32> to vector<16xf32>
        %mul3A_121 = vector.broadcast %squeeze3A_114 : f32 to vector<16xf32>
        %mul3A_122 = arith.mulf %mul3A_121, %get3A_120 : vector<16xf32>
        %add3A_123 = arith.addf %add3A_112, %mul3A_122 : vector<16xf32>
        %slice3A_124 = vector.extract_strided_slice %get3A_28 {offsets = [3], sizes = [1], strides = [1]} : vector<16xf32> to vector<1xf32>
        %squeeze3A_125 = vector.extract %slice3A_124[0] : f32 from vector<1xf32>
        %add3A_126 = arith.constant 3 : i32
        %add3A_127 = arith.addi %mul3A_26, %add3A_126 : i32
        %get3A_128 = arith.index_cast %add3A_127 : i32 to index
        %get3A_129 = arith.constant 16 : index
        %get3A_130 = tpu.vector_load %arg8[%get3A_128, %get3A_129] {strides = array<i32>} : memref<96x128xf32, #tpu.memory_space<vmem>>, vector<1x16xf32>,
        %get3A_131 = vector.shape_cast %get3A_130 : vector<1x16xf32> to vector<16xf32>
        %mul3A_132 = vector.broadcast %squeeze3A_125 : f32 to vector<16xf32>
        %mul3A_133 = arith.mulf %mul3A_132, %get3A_131 : vector<16xf32>
        %add3A_134 = arith.addf %add3A_123, %mul3A_133 : vector<16xf32>
        %slice3A_135 = vector.extract_strided_slice %get3A_28 {offsets = [4], sizes = [1], strides = [1]} : vector<16xf32> to vector<1xf32>
        %squeeze3A_136 = vector.extract %slice3A_135[0] : f32 from vector<1xf32>
        %add3A_137 = arith.constant 4 : i32
        %add3A_138 = arith.addi %mul3A_26, %add3A_137 : i32
        %get3A_139 = arith.index_cast %add3A_138 : i32 to index
        %get3A_140 = arith.constant 16 : index
        %get3A_141 = tpu.vector_load %arg8[%get3A_139, %get3A_140] {strides = array<i32>} : memref<96x128xf32, #tpu.memory_space<vmem>>, vector<1x16xf32>,
        %get3A_142 = vector.shape_cast %get3A_141 : vector<1x16xf32> to vector<16xf32>
        %mul3A_143 = vector.broadcast %squeeze3A_136 : f32 to vector<16xf32>
        %mul3A_144 = arith.mulf %mul3A_143, %get3A_142 : vector<16xf32>
        %add3A_145 = arith.addf %add3A_134, %mul3A_144 : vector<16xf32>
        %slice3A_146 = vector.extract_strided_slice %get3A_28 {offsets = [5], sizes = [1], strides = [1]} : vector<16xf32> to vector<1xf32>
        %squeeze3A_147 = vector.extract %slice3A_146[0] : f32 from vector<1xf32>
        %add3A_148 = arith.constant 5 : i32
        %add3A_149 = arith.addi %mul3A_26, %add3A_148 : i32
        %get3A_150 = arith.index_cast %add3A_149 : i32 to index
        %get3A_151 = arith.constant 16 : index
        %get3A_152 = tpu.vector_load %arg8[%get3A_150, %get3A_151] {strides = array<i32>} : memref<96x128xf32, #tpu.memory_space<vmem>>, vector<1x16xf32>,
        %get3A_153 = vector.shape_cast %get3A_152 : vector<1x16xf32> to vector<16xf32>
        %mul3A_154 = vector.broadcast %squeeze3A_147 : f32 to vector<16xf32>
        %mul3A_155 = arith.mulf %mul3A_154, %get3A_153 : vector<16xf32>
        %add3A_156 = arith.addf %add3A_145, %mul3A_155 : vector<16xf32>
        %swap3A_157 = arith.index_cast %scan3A_24 : i32 to index
        %swap3A_158 = arith.constant 16 : index
        %swap3A_159 = tpu.vector_load %arg9[%swap3A_157, %swap3A_158] {strides = array<i32>} : memref<16x128xf32, #tpu.memory_space<vmem>>, vector<1x16xf32>,
        %swap3A_160 = vector.shape_cast %swap3A_159 : vector<1x16xf32> to vector<16xf32>
        %swap3A_161 = vector.shape_cast %add3A_156 : vector<16xf32> to vector<1x16xf32>
        tpu.vector_store %arg9[%swap3A_157, %swap3A_158], %swap3A_161 {strides = array<i32>} : memref<16x128xf32, #tpu.memory_space<vmem>>, vector<1x16xf32>,
        %slice3A_162 = vector.extract_strided_slice %get3A_28 {offsets = [0], sizes = [1], strides = [1]} : vector<16xf32> to vector<1xf32>
        %squeeze3A_163 = vector.extract %slice3A_162[0] : f32 from vector<1xf32>
        %get3A_164 = arith.index_cast %mul3A_26 : i32 to index
        %get3A_165 = arith.constant 32 : index
        %get3A_166 = tpu.vector_load %arg8[%get3A_164, %get3A_165] {strides = array<i32>} : memref<96x128xf32, #tpu.memory_space<vmem>>, vector<1x16xf32>,
        %get3A_167 = vector.shape_cast %get3A_166 : vector<1x16xf32> to vector<16xf32>
        %mul3A_168 = vector.broadcast %squeeze3A_163 : f32 to vector<16xf32>
        %mul3A_169 = arith.mulf %mul3A_168, %get3A_167 : vector<16xf32>
        %slice3A_170 = vector.extract_strided_slice %get3A_28 {offsets = [1], sizes = [1], strides = [1]} : vector<16xf32> to vector<1xf32>
        %squeeze3A_171 = vector.extract %slice3A_170[0] : f32 from vector<1xf32>
        %add3A_172 = arith.constant 1 : i32
        %add3A_173 = arith.addi %mul3A_26, %add3A_172 : i32
        %get3A_174 = arith.index_cast %add3A_173 : i32 to index
        %get3A_175 = arith.constant 32 : index
        %get3A_176 = tpu.vector_load %arg8[%get3A_174, %get3A_175] {strides = array<i32>} : memref<96x128xf32, #tpu.memory_space<vmem>>, vector<1x16xf32>,
        %get3A_177 = vector.shape_cast %get3A_176 : vector<1x16xf32> to vector<16xf32>
        %mul3A_178 = vector.broadcast %squeeze3A_171 : f32 to vector<16xf32>
        %mul3A_179 = arith.mulf %mul3A_178, %get3A_177 : vector<16xf32>
        %add3A_180 = arith.addf %mul3A_169, %mul3A_179 : vector<16xf32>
        %slice3A_181 = vector.extract_strided_slice %get3A_28 {offsets = [2], sizes = [1], strides = [1]} : vector<16xf32> to vector<1xf32>
        %squeeze3A_182 = vector.extract %slice3A_181[0] : f32 from vector<1xf32>
        %add3A_183 = arith.constant 2 : i32
        %add3A_184 = arith.addi %mul3A_26, %add3A_183 : i32
        %get3A_185 = arith.index_cast %add3A_184 : i32 to index
        %get3A_186 = arith.constant 32 : index
        %get3A_187 = tpu.vector_load %arg8[%get3A_185, %get3A_186] {strides = array<i32>} : memref<96x128xf32, #tpu.memory_space<vmem>>, vector<1x16xf32>,
        %get3A_188 = vector.shape_cast %get3A_187 : vector<1x16xf32> to vector<16xf32>
        %mul3A_189 = vector.broadcast %squeeze3A_182 : f32 to vector<16xf32>
        %mul3A_190 = arith.mulf %mul3A_189, %get3A_188 : vector<16xf32>
        %add3A_191 = arith.addf %add3A_180, %mul3A_190 : vector<16xf32>
        %slice3A_192 = vector.extract_strided_slice %get3A_28 {offsets = [3], sizes = [1], strides = [1]} : vector<16xf32> to vector<1xf32>
        %squeeze3A_193 = vector.extract %slice3A_192[0] : f32 from vector<1xf32>
        %add3A_194 = arith.constant 3 : i32
        %add3A_195 = arith.addi %mul3A_26, %add3A_194 : i32
        %get3A_196 = arith.index_cast %add3A_195 : i32 to index
        %get3A_197 = arith.constant 32 : index
        %get3A_198 = tpu.vector_load %arg8[%get3A_196, %get3A_197] {strides = array<i32>} : memref<96x128xf32, #tpu.memory_space<vmem>>, vector<1x16xf32>,
        %get3A_199 = vector.shape_cast %get3A_198 : vector<1x16xf32> to vector<16xf32>
        %mul3A_200 = vector.broadcast %squeeze3A_193 : f32 to vector<16xf32>
        %mul3A_201 = arith.mulf %mul3A_200, %get3A_199 : vector<16xf32>
        %add3A_202 = arith.addf %add3A_191, %mul3A_201 : vector<16xf32>
        %slice3A_203 = vector.extract_strided_slice %get3A_28 {offsets = [4], sizes = [1], strides = [1]} : vector<16xf32> to vector<1xf32>
        %squeeze3A_204 = vector.extract %slice3A_203[0] : f32 from vector<1xf32>
        %add3A_205 = arith.constant 4 : i32
        %add3A_206 = arith.addi %mul3A_26, %add3A_205 : i32
        %get3A_207 = arith.index_cast %add3A_206 : i32 to index
        %get3A_208 = arith.constant 32 : index
        %get3A_209 = tpu.vector_load %arg8[%get3A_207, %get3A_208] {strides = array<i32>} : memref<96x128xf32, #tpu.memory_space<vmem>>, vector<1x16xf32>,
        %get3A_210 = vector.shape_cast %get3A_209 : vector<1x16xf32> to vector<16xf32>
        %mul3A_211 = vector.broadcast %squeeze3A_204 : f32 to vector<16xf32>
        %mul3A_212 = arith.mulf %mul3A_211, %get3A_210 : vector<16xf32>
        %add3A_213 = arith.addf %add3A_202, %mul3A_212 : vector<16xf32>
        %slice3A_214 = vector.extract_strided_slice %get3A_28 {offsets = [5], sizes = [1], strides = [1]} : vector<16xf32> to vector<1xf32>
        %squeeze3A_215 = vector.extract %slice3A_214[0] : f32 from vector<1xf32>
        %add3A_216 = arith.constant 5 : i32
        %add3A_217 = arith.addi %mul3A_26, %add3A_216 : i32
        %get3A_218 = arith.index_cast %add3A_217 : i32 to index
        %get3A_219 = arith.constant 32 : index
        %get3A_220 = tpu.vector_load %arg8[%get3A_218, %get3A_219] {strides = array<i32>} : memref<96x128xf32, #tpu.memory_space<vmem>>, vector<1x16xf32>,
        %get3A_221 = vector.shape_cast %get3A_220 : vector<1x16xf32> to vector<16xf32>
        %mul3A_222 = vector.broadcast %squeeze3A_215 : f32 to vector<16xf32>
        %mul3A_223 = arith.mulf %mul3A_222, %get3A_221 : vector<16xf32>
        %add3A_224 = arith.addf %add3A_213, %mul3A_223 : vector<16xf32>
        %swap3A_225 = arith.index_cast %scan3A_24 : i32 to index
        %swap3A_226 = arith.constant 32 : index
        %swap3A_227 = tpu.vector_load %arg9[%swap3A_225, %swap3A_226] {strides = array<i32>} : memref<16x128xf32, #tpu.memory_space<vmem>>, vector<1x16xf32>,
        %swap3A_228 = vector.shape_cast %swap3A_227 : vector<1x16xf32> to vector<16xf32>
        %swap3A_229 = vector.shape_cast %add3A_224 : vector<16xf32> to vector<1x16xf32>
        tpu.vector_store %arg9[%swap3A_225, %swap3A_226], %swap3A_229 {strides = array<i32>} : memref<16x128xf32, #tpu.memory_space<vmem>>, vector<1x16xf32>,
        %slice3A_230 = vector.extract_strided_slice %get3A_28 {offsets = [0], sizes = [1], strides = [1]} : vector<16xf32> to vector<1xf32>
        %squeeze3A_231 = vector.extract %slice3A_230[0] : f32 from vector<1xf32>
        %get3A_232 = arith.index_cast %mul3A_26 : i32 to index
        %get3A_233 = arith.constant 48 : index
        %get3A_234 = tpu.vector_load %arg8[%get3A_232, %get3A_233] {strides = array<i32>} : memref<96x128xf32, #tpu.memory_space<vmem>>, vector<1x16xf32>,
        %get3A_235 = vector.shape_cast %get3A_234 : vector<1x16xf32> to vector<16xf32>
        %mul3A_236 = vector.broadcast %squeeze3A_231 : f32 to vector<16xf32>
        %mul3A_237 = arith.mulf %mul3A_236, %get3A_235 : vector<16xf32>
        %slice3A_238 = vector.extract_strided_slice %get3A_28 {offsets = [1], sizes = [1], strides = [1]} : vector<16xf32> to vector<1xf32>
        %squeeze3A_239 = vector.extract %slice3A_238[0] : f32 from vector<1xf32>
        %add3A_240 = arith.constant 1 : i32
        %add3A_241 = arith.addi %mul3A_26, %add3A_240 : i32
        %get3A_242 = arith.index_cast %add3A_241 : i32 to index
        %get3A_243 = arith.constant 48 : index
        %get3A_244 = tpu.vector_load %arg8[%get3A_242, %get3A_243] {strides = array<i32>} : memref<96x128xf32, #tpu.memory_space<vmem>>, vector<1x16xf32>,
        %get3A_245 = vector.shape_cast %get3A_244 : vector<1x16xf32> to vector<16xf32>
        %mul3A_246 = vector.broadcast %squeeze3A_239 : f32 to vector<16xf32>
        %mul3A_247 = arith.mulf %mul3A_246, %get3A_245 : vector<16xf32>
        %add3A_248 = arith.addf %mul3A_237, %mul3A_247 : vector<16xf32>
        %slice3A_249 = vector.extract_strided_slice %get3A_28 {offsets = [2], sizes = [1], strides = [1]} : vector<16xf32> to vector<1xf32>
        %squeeze3A_250 = vector.extract %slice3A_249[0] : f32 from vector<1xf32>
        %add3A_251 = arith.constant 2 : i32
        %add3A_252 = arith.addi %mul3A_26, %add3A_251 : i32
        %get3A_253 = arith.index_cast %add3A_252 : i32 to index
        %get3A_254 = arith.constant 48 : index
        %get3A_255 = tpu.vector_load %arg8[%get3A_253, %get3A_254] {strides = array<i32>} : memref<96x128xf32, #tpu.memory_space<vmem>>, vector<1x16xf32>,
        %get3A_256 = vector.shape_cast %get3A_255 : vector<1x16xf32> to vector<16xf32>
        %mul3A_257 = vector.broadcast %squeeze3A_250 : f32 to vector<16xf32>
        %mul3A_258 = arith.mulf %mul3A_257, %get3A_256 : vector<16xf32>
        %add3A_259 = arith.addf %add3A_248, %mul3A_258 : vector<16xf32>
        %slice3A_260 = vector.extract_strided_slice %get3A_28 {offsets = [3], sizes = [1], strides = [1]} : vector<16xf32> to vector<1xf32>
        %squeeze3A_261 = vector.extract %slice3A_260[0] : f32 from vector<1xf32>
        %add3A_262 = arith.constant 3 : i32
        %add3A_263 = arith.addi %mul3A_26, %add3A_262 : i32
        %get3A_264 = arith.index_cast %add3A_263 : i32 to index
        %get3A_265 = arith.constant 48 : index
        %get3A_266 = tpu.vector_load %arg8[%get3A_264, %get3A_265] {strides = array<i32>} : memref<96x128xf32, #tpu.memory_space<vmem>>, vector<1x16xf32>,
        %get3A_267 = vector.shape_cast %get3A_266 : vector<1x16xf32> to vector<16xf32>
        %mul3A_268 = vector.broadcast %squeeze3A_261 : f32 to vector<16xf32>
        %mul3A_269 = arith.mulf %mul3A_268, %get3A_267 : vector<16xf32>
        %add3A_270 = arith.addf %add3A_259, %mul3A_269 : vector<16xf32>
        %slice3A_271 = vector.extract_strided_slice %get3A_28 {offsets = [4], sizes = [1], strides = [1]} : vector<16xf32> to vector<1xf32>
        %squeeze3A_272 = vector.extract %slice3A_271[0] : f32 from vector<1xf32>
        %add3A_273 = arith.constant 4 : i32
        %add3A_274 = arith.addi %mul3A_26, %add3A_273 : i32
        %get3A_275 = arith.index_cast %add3A_274 : i32 to index
        %get3A_276 = arith.constant 48 : index
        %get3A_277 = tpu.vector_load %arg8[%get3A_275, %get3A_276] {strides = array<i32>} : memref<96x128xf32, #tpu.memory_space<vmem>>, vector<1x16xf32>,
        %get3A_278 = vector.shape_cast %get3A_277 : vector<1x16xf32> to vector<16xf32>
        %mul3A_279 = vector.broadcast %squeeze3A_272 : f32 to vector<16xf32>
        %mul3A_280 = arith.mulf %mul3A_279, %get3A_278 : vector<16xf32>
        %add3A_281 = arith.addf %add3A_270, %mul3A_280 : vector<16xf32>
        %slice3A_282 = vector.extract_strided_slice %get3A_28 {offsets = [5], sizes = [1], strides = [1]} : vector<16xf32> to vector<1xf32>
        %squeeze3A_283 = vector.extract %slice3A_282[0] : f32 from vector<1xf32>
        %add3A_284 = arith.constant 5 : i32
        %add3A_285 = arith.addi %mul3A_26, %add3A_284 : i32
        %get3A_286 = arith.index_cast %add3A_285 : i32 to index
        %get3A_287 = arith.constant 48 : index
        %get3A_288 = tpu.vector_load %arg8[%get3A_286, %get3A_287] {strides = array<i32>} : memref<96x128xf32, #tpu.memory_space<vmem>>, vector<1x16xf32>,
        %get3A_289 = vector.shape_cast %get3A_288 : vector<1x16xf32> to vector<16xf32>
        %mul3A_290 = vector.broadcast %squeeze3A_283 : f32 to vector<16xf32>
        %mul3A_291 = arith.mulf %mul3A_290, %get3A_289 : vector<16xf32>
        %add3A_292 = arith.addf %add3A_281, %mul3A_291 : vector<16xf32>
        %swap3A_293 = arith.index_cast %scan3A_24 : i32 to index
        %swap3A_294 = arith.constant 48 : index
        %swap3A_295 = tpu.vector_load %arg9[%swap3A_293, %swap3A_294] {strides = array<i32>} : memref<16x128xf32, #tpu.memory_space<vmem>>, vector<1x16xf32>,
        %swap3A_296 = vector.shape_cast %swap3A_295 : vector<1x16xf32> to vector<16xf32>
        %swap3A_297 = vector.shape_cast %add3A_292 : vector<16xf32> to vector<1x16xf32>
        tpu.vector_store %arg9[%swap3A_293, %swap3A_294], %swap3A_297 {strides = array<i32>} : memref<16x128xf32, #tpu.memory_space<vmem>>, vector<1x16xf32>,
        %slice3A_298 = vector.extract_strided_slice %get3A_28 {offsets = [0], sizes = [1], strides = [1]} : vector<16xf32> to vector<1xf32>
        %squeeze3A_299 = vector.extract %slice3A_298[0] : f32 from vector<1xf32>
        %get3A_300 = arith.index_cast %mul3A_26 : i32 to index
        %get3A_301 = arith.constant 64 : index
        %get3A_302 = tpu.vector_load %arg8[%get3A_300, %get3A_301] {strides = array<i32>} : memref<96x128xf32, #tpu.memory_space<vmem>>, vector<1x16xf32>,
        %get3A_303 = vector.shape_cast %get3A_302 : vector<1x16xf32> to vector<16xf32>
        %mul3A_304 = vector.broadcast %squeeze3A_299 : f32 to vector<16xf32>
        %mul3A_305 = arith.mulf %mul3A_304, %get3A_303 : vector<16xf32>
        %slice3A_306 = vector.extract_strided_slice %get3A_28 {offsets = [1], sizes = [1], strides = [1]} : vector<16xf32> to vector<1xf32>
        %squeeze3A_307 = vector.extract %slice3A_306[0] : f32 from vector<1xf32>
        %add3A_308 = arith.constant 1 : i32
        %add3A_309 = arith.addi %mul3A_26, %add3A_308 : i32
        %get3A_310 = arith.index_cast %add3A_309 : i32 to index
        %get3A_311 = arith.constant 64 : index
        %get3A_312 = tpu.vector_load %arg8[%get3A_310, %get3A_311] {strides = array<i32>} : memref<96x128xf32, #tpu.memory_space<vmem>>, vector<1x16xf32>,
        %get3A_313 = vector.shape_cast %get3A_312 : vector<1x16xf32> to vector<16xf32>
        %mul3A_314 = vector.broadcast %squeeze3A_307 : f32 to vector<16xf32>
        %mul3A_315 = arith.mulf %mul3A_314, %get3A_313 : vector<16xf32>
        %add3A_316 = arith.addf %mul3A_305, %mul3A_315 : vector<16xf32>
        %slice3A_317 = vector.extract_strided_slice %get3A_28 {offsets = [2], sizes = [1], strides = [1]} : vector<16xf32> to vector<1xf32>
        %squeeze3A_318 = vector.extract %slice3A_317[0] : f32 from vector<1xf32>
        %add3A_319 = arith.constant 2 : i32
        %add3A_320 = arith.addi %mul3A_26, %add3A_319 : i32
        %get3A_321 = arith.index_cast %add3A_320 : i32 to index
        %get3A_322 = arith.constant 64 : index
        %get3A_323 = tpu.vector_load %arg8[%get3A_321, %get3A_322] {strides = array<i32>} : memref<96x128xf32, #tpu.memory_space<vmem>>, vector<1x16xf32>,
        %get3A_324 = vector.shape_cast %get3A_323 : vector<1x16xf32> to vector<16xf32>
        %mul3A_325 = vector.broadcast %squeeze3A_318 : f32 to vector<16xf32>
        %mul3A_326 = arith.mulf %mul3A_325, %get3A_324 : vector<16xf32>
        %add3A_327 = arith.addf %add3A_316, %mul3A_326 : vector<16xf32>
        %slice3A_328 = vector.extract_strided_slice %get3A_28 {offsets = [3], sizes = [1], strides = [1]} : vector<16xf32> to vector<1xf32>
        %squeeze3A_329 = vector.extract %slice3A_328[0] : f32 from vector<1xf32>
        %add3A_330 = arith.constant 3 : i32
        %add3A_331 = arith.addi %mul3A_26, %add3A_330 : i32
        %get3A_332 = arith.index_cast %add3A_331 : i32 to index
        %get3A_333 = arith.constant 64 : index
        %get3A_334 = tpu.vector_load %arg8[%get3A_332, %get3A_333] {strides = array<i32>} : memref<96x128xf32, #tpu.memory_space<vmem>>, vector<1x16xf32>,
        %get3A_335 = vector.shape_cast %get3A_334 : vector<1x16xf32> to vector<16xf32>
        %mul3A_336 = vector.broadcast %squeeze3A_329 : f32 to vector<16xf32>
        %mul3A_337 = arith.mulf %mul3A_336, %get3A_335 : vector<16xf32>
        %add3A_338 = arith.addf %add3A_327, %mul3A_337 : vector<16xf32>
        %slice3A_339 = vector.extract_strided_slice %get3A_28 {offsets = [4], sizes = [1], strides = [1]} : vector<16xf32> to vector<1xf32>
        %squeeze3A_340 = vector.extract %slice3A_339[0] : f32 from vector<1xf32>
        %add3A_341 = arith.constant 4 : i32
        %add3A_342 = arith.addi %mul3A_26, %add3A_341 : i32
        %get3A_343 = arith.index_cast %add3A_342 : i32 to index
        %get3A_344 = arith.constant 64 : index
        %get3A_345 = tpu.vector_load %arg8[%get3A_343, %get3A_344] {strides = array<i32>} : memref<96x128xf32, #tpu.memory_space<vmem>>, vector<1x16xf32>,
        %get3A_346 = vector.shape_cast %get3A_345 : vector<1x16xf32> to vector<16xf32>
        %mul3A_347 = vector.broadcast %squeeze3A_340 : f32 to vector<16xf32>
        %mul3A_348 = arith.mulf %mul3A_347, %get3A_346 : vector<16xf32>
        %add3A_349 = arith.addf %add3A_338, %mul3A_348 : vector<16xf32>
        %slice3A_350 = vector.extract_strided_slice %get3A_28 {offsets = [5], sizes = [1], strides = [1]} : vector<16xf32> to vector<1xf32>
        %squeeze3A_351 = vector.extract %slice3A_350[0] : f32 from vector<1xf32>
        %add3A_352 = arith.constant 5 : i32
        %add3A_353 = arith.addi %mul3A_26, %add3A_352 : i32
        %get3A_354 = arith.index_cast %add3A_353 : i32 to index
        %get3A_355 = arith.constant 64 : index
        %get3A_356 = tpu.vector_load %arg8[%get3A_354, %get3A_355] {strides = array<i32>} : memref<96x128xf32, #tpu.memory_space<vmem>>, vector<1x16xf32>,
        %get3A_357 = vector.shape_cast %get3A_356 : vector<1x16xf32> to vector<16xf32>
        %mul3A_358 = vector.broadcast %squeeze3A_351 : f32 to vector<16xf32>
        %mul3A_359 = arith.mulf %mul3A_358, %get3A_357 : vector<16xf32>
        %add3A_360 = arith.addf %add3A_349, %mul3A_359 : vector<16xf32>
        %swap3A_361 = arith.index_cast %scan3A_24 : i32 to index
        %swap3A_362 = arith.constant 64 : index
        %swap3A_363 = tpu.vector_load %arg9[%swap3A_361, %swap3A_362] {strides = array<i32>} : memref<16x128xf32, #tpu.memory_space<vmem>>, vector<1x16xf32>,
        %swap3A_364 = vector.shape_cast %swap3A_363 : vector<1x16xf32> to vector<16xf32>
        %swap3A_365 = vector.shape_cast %add3A_360 : vector<16xf32> to vector<1x16xf32>
        tpu.vector_store %arg9[%swap3A_361, %swap3A_362], %swap3A_365 {strides = array<i32>} : memref<16x128xf32, #tpu.memory_space<vmem>>, vector<1x16xf32>,
        %slice3A_366 = vector.extract_strided_slice %get3A_28 {offsets = [0], sizes = [1], strides = [1]} : vector<16xf32> to vector<1xf32>
        %squeeze3A_367 = vector.extract %slice3A_366[0] : f32 from vector<1xf32>
        %get3A_368 = arith.index_cast %mul3A_26 : i32 to index
        %get3A_369 = arith.constant 80 : index
        %get3A_370 = tpu.vector_load %arg8[%get3A_368, %get3A_369] {strides = array<i32>} : memref<96x128xf32, #tpu.memory_space<vmem>>, vector<1x16xf32>,
        %get3A_371 = vector.shape_cast %get3A_370 : vector<1x16xf32> to vector<16xf32>
        %mul3A_372 = vector.broadcast %squeeze3A_367 : f32 to vector<16xf32>
        %mul3A_373 = arith.mulf %mul3A_372, %get3A_371 : vector<16xf32>
        %slice3A_374 = vector.extract_strided_slice %get3A_28 {offsets = [1], sizes = [1], strides = [1]} : vector<16xf32> to vector<1xf32>
        %squeeze3A_375 = vector.extract %slice3A_374[0] : f32 from vector<1xf32>
        %add3A_376 = arith.constant 1 : i32
        %add3A_377 = arith.addi %mul3A_26, %add3A_376 : i32
        %get3A_378 = arith.index_cast %add3A_377 : i32 to index
        %get3A_379 = arith.constant 80 : index
        %get3A_380 = tpu.vector_load %arg8[%get3A_378, %get3A_379] {strides = array<i32>} : memref<96x128xf32, #tpu.memory_space<vmem>>, vector<1x16xf32>,
        %get3A_381 = vector.shape_cast %get3A_380 : vector<1x16xf32> to vector<16xf32>
        %mul3A_382 = vector.broadcast %squeeze3A_375 : f32 to vector<16xf32>
        %mul3A_383 = arith.mulf %mul3A_382, %get3A_381 : vector<16xf32>
        %add3A_384 = arith.addf %mul3A_373, %mul3A_383 : vector<16xf32>
        %slice3A_385 = vector.extract_strided_slice %get3A_28 {offsets = [2], sizes = [1], strides = [1]} : vector<16xf32> to vector<1xf32>
        %squeeze3A_386 = vector.extract %slice3A_385[0] : f32 from vector<1xf32>
        %add3A_387 = arith.constant 2 : i32
        %add3A_388 = arith.addi %mul3A_26, %add3A_387 : i32
        %get3A_389 = arith.index_cast %add3A_388 : i32 to index
        %get3A_390 = arith.constant 80 : index
        %get3A_391 = tpu.vector_load %arg8[%get3A_389, %get3A_390] {strides = array<i32>} : memref<96x128xf32, #tpu.memory_space<vmem>>, vector<1x16xf32>,
        %get3A_392 = vector.shape_cast %get3A_391 : vector<1x16xf32> to vector<16xf32>
        %mul3A_393 = vector.broadcast %squeeze3A_386 : f32 to vector<16xf32>
        %mul3A_394 = arith.mulf %mul3A_393, %get3A_392 : vector<16xf32>
        %add3A_395 = arith.addf %add3A_384, %mul3A_394 : vector<16xf32>
        %slice3A_396 = vector.extract_strided_slice %get3A_28 {offsets = [3], sizes = [1], strides = [1]} : vector<16xf32> to vector<1xf32>
        %squeeze3A_397 = vector.extract %slice3A_396[0] : f32 from vector<1xf32>
        %add3A_398 = arith.constant 3 : i32
        %add3A_399 = arith.addi %mul3A_26, %add3A_398 : i32
        %get3A_400 = arith.index_cast %add3A_399 : i32 to index
        %get3A_401 = arith.constant 80 : index
        %get3A_402 = tpu.vector_load %arg8[%get3A_400, %get3A_401] {strides = array<i32>} : memref<96x128xf32, #tpu.memory_space<vmem>>, vector<1x16xf32>,
        %get3A_403 = vector.shape_cast %get3A_402 : vector<1x16xf32> to vector<16xf32>
        %mul3A_404 = vector.broadcast %squeeze3A_397 : f32 to vector<16xf32>
        %mul3A_405 = arith.mulf %mul3A_404, %get3A_403 : vector<16xf32>
        %add3A_406 = arith.addf %add3A_395, %mul3A_405 : vector<16xf32>
        %slice3A_407 = vector.extract_strided_slice %get3A_28 {offsets = [4], sizes = [1], strides = [1]} : vector<16xf32> to vector<1xf32>
        %squeeze3A_408 = vector.extract %slice3A_407[0] : f32 from vector<1xf32>
        %add3A_409 = arith.constant 4 : i32
        %add3A_410 = arith.addi %mul3A_26, %add3A_409 : i32
        %get3A_411 = arith.index_cast %add3A_410 : i32 to index
        %get3A_412 = arith.constant 80 : index
        %get3A_413 = tpu.vector_load %arg8[%get3A_411, %get3A_412] {strides = array<i32>} : memref<96x128xf32, #tpu.memory_space<vmem>>, vector<1x16xf32>,
        %get3A_414 = vector.shape_cast %get3A_413 : vector<1x16xf32> to vector<16xf32>
        %mul3A_415 = vector.broadcast %squeeze3A_408 : f32 to vector<16xf32>
        %mul3A_416 = arith.mulf %mul3A_415, %get3A_414 : vector<16xf32>
        %add3A_417 = arith.addf %add3A_406, %mul3A_416 : vector<16xf32>
        %slice3A_418 = vector.extract_strided_slice %get3A_28 {offsets = [5], sizes = [1], strides = [1]} : vector<16xf32> to vector<1xf32>
        %squeeze3A_419 = vector.extract %slice3A_418[0] : f32 from vector<1xf32>
        %add3A_420 = arith.constant 5 : i32
        %add3A_421 = arith.addi %mul3A_26, %add3A_420 : i32
        %get3A_422 = arith.index_cast %add3A_421 : i32 to index
        %get3A_423 = arith.constant 80 : index
        %get3A_424 = tpu.vector_load %arg8[%get3A_422, %get3A_423] {strides = array<i32>} : memref<96x128xf32, #tpu.memory_space<vmem>>, vector<1x16xf32>,
        %get3A_425 = vector.shape_cast %get3A_424 : vector<1x16xf32> to vector<16xf32>
        %mul3A_426 = vector.broadcast %squeeze3A_419 : f32 to vector<16xf32>
        %mul3A_427 = arith.mulf %mul3A_426, %get3A_425 : vector<16xf32>
        %add3A_428 = arith.addf %add3A_417, %mul3A_427 : vector<16xf32>
        %swap3A_429 = arith.index_cast %scan3A_24 : i32 to index
        %swap3A_430 = arith.constant 80 : index
        %swap3A_431 = tpu.vector_load %arg9[%swap3A_429, %swap3A_430] {strides = array<i32>} : memref<16x128xf32, #tpu.memory_space<vmem>>, vector<1x16xf32>,
        %swap3A_432 = vector.shape_cast %swap3A_431 : vector<1x16xf32> to vector<16xf32>
        %swap3A_433 = vector.shape_cast %add3A_428 : vector<16xf32> to vector<1x16xf32>
        tpu.vector_store %arg9[%swap3A_429, %swap3A_430], %swap3A_433 {strides = array<i32>} : memref<16x128xf32, #tpu.memory_space<vmem>>, vector<1x16xf32>,
        %slice3A_434 = vector.extract_strided_slice %get3A_28 {offsets = [0], sizes = [1], strides = [1]} : vector<16xf32> to vector<1xf32>
        %squeeze3A_435 = vector.extract %slice3A_434[0] : f32 from vector<1xf32>
        %get3A_436 = arith.index_cast %mul3A_26 : i32 to index
        %get3A_437 = arith.constant 96 : index
        %get3A_438 = tpu.vector_load %arg8[%get3A_436, %get3A_437] {strides = array<i32>} : memref<96x128xf32, #tpu.memory_space<vmem>>, vector<1x16xf32>,
        %get3A_439 = vector.shape_cast %get3A_438 : vector<1x16xf32> to vector<16xf32>
        %mul3A_440 = vector.broadcast %squeeze3A_435 : f32 to vector<16xf32>
        %mul3A_441 = arith.mulf %mul3A_440, %get3A_439 : vector<16xf32>
        %slice3A_442 = vector.extract_strided_slice %get3A_28 {offsets = [1], sizes = [1], strides = [1]} : vector<16xf32> to vector<1xf32>
        %squeeze3A_443 = vector.extract %slice3A_442[0] : f32 from vector<1xf32>
        %add3A_444 = arith.constant 1 : i32
        %add3A_445 = arith.addi %mul3A_26, %add3A_444 : i32
        %get3A_446 = arith.index_cast %add3A_445 : i32 to index
        %get3A_447 = arith.constant 96 : index
        %get3A_448 = tpu.vector_load %arg8[%get3A_446, %get3A_447] {strides = array<i32>} : memref<96x128xf32, #tpu.memory_space<vmem>>, vector<1x16xf32>,
        %get3A_449 = vector.shape_cast %get3A_448 : vector<1x16xf32> to vector<16xf32>
        %mul3A_450 = vector.broadcast %squeeze3A_443 : f32 to vector<16xf32>
        %mul3A_451 = arith.mulf %mul3A_450, %get3A_449 : vector<16xf32>
        %add3A_452 = arith.addf %mul3A_441, %mul3A_451 : vector<16xf32>
        %slice3A_453 = vector.extract_strided_slice %get3A_28 {offsets = [2], sizes = [1], strides = [1]} : vector<16xf32> to vector<1xf32>
        %squeeze3A_454 = vector.extract %slice3A_453[0] : f32 from vector<1xf32>
        %add3A_455 = arith.constant 2 : i32
        %add3A_456 = arith.addi %mul3A_26, %add3A_455 : i32
        %get3A_457 = arith.index_cast %add3A_456 : i32 to index
        %get3A_458 = arith.constant 96 : index
        %get3A_459 = tpu.vector_load %arg8[%get3A_457, %get3A_458] {strides = array<i32>} : memref<96x128xf32, #tpu.memory_space<vmem>>, vector<1x16xf32>,
        %get3A_460 = vector.shape_cast %get3A_459 : vector<1x16xf32> to vector<16xf32>
        %mul3A_461 = vector.broadcast %squeeze3A_454 : f32 to vector<16xf32>
        %mul3A_462 = arith.mulf %mul3A_461, %get3A_460 : vector<16xf32>
        %add3A_463 = arith.addf %add3A_452, %mul3A_462 : vector<16xf32>
        %slice3A_464 = vector.extract_strided_slice %get3A_28 {offsets = [3], sizes = [1], strides = [1]} : vector<16xf32> to vector<1xf32>
        %squeeze3A_465 = vector.extract %slice3A_464[0] : f32 from vector<1xf32>
        %add3A_466 = arith.constant 3 : i32
        %add3A_467 = arith.addi %mul3A_26, %add3A_466 : i32
        %get3A_468 = arith.index_cast %add3A_467 : i32 to index
        %get3A_469 = arith.constant 96 : index
        %get3A_470 = tpu.vector_load %arg8[%get3A_468, %get3A_469] {strides = array<i32>} : memref<96x128xf32, #tpu.memory_space<vmem>>, vector<1x16xf32>,
        %get3A_471 = vector.shape_cast %get3A_470 : vector<1x16xf32> to vector<16xf32>
        %mul3A_472 = vector.broadcast %squeeze3A_465 : f32 to vector<16xf32>
        %mul3A_473 = arith.mulf %mul3A_472, %get3A_471 : vector<16xf32>
        %add3A_474 = arith.addf %add3A_463, %mul3A_473 : vector<16xf32>
        %slice3A_475 = vector.extract_strided_slice %get3A_28 {offsets = [4], sizes = [1], strides = [1]} : vector<16xf32> to vector<1xf32>
        %squeeze3A_476 = vector.extract %slice3A_475[0] : f32 from vector<1xf32>
        %add3A_477 = arith.constant 4 : i32
        %add3A_478 = arith.addi %mul3A_26, %add3A_477 : i32
        %get3A_479 = arith.index_cast %add3A_478 : i32 to index
        %get3A_480 = arith.constant 96 : index
        %get3A_481 = tpu.vector_load %arg8[%get3A_479, %get3A_480] {strides = array<i32>} : memref<96x128xf32, #tpu.memory_space<vmem>>, vector<1x16xf32>,
        %get3A_482 = vector.shape_cast %get3A_481 : vector<1x16xf32> to vector<16xf32>
        %mul3A_483 = vector.broadcast %squeeze3A_476 : f32 to vector<16xf32>
        %mul3A_484 = arith.mulf %mul3A_483, %get3A_482 : vector<16xf32>
        %add3A_485 = arith.addf %add3A_474, %mul3A_484 : vector<16xf32>
        %slice3A_486 = vector.extract_strided_slice %get3A_28 {offsets = [5], sizes = [1], strides = [1]} : vector<16xf32> to vector<1xf32>
        %squeeze3A_487 = vector.extract %slice3A_486[0] : f32 from vector<1xf32>
        %add3A_488 = arith.constant 5 : i32
        %add3A_489 = arith.addi %mul3A_26, %add3A_488 : i32
        %get3A_490 = arith.index_cast %add3A_489 : i32 to index
        %get3A_491 = arith.constant 96 : index
        %get3A_492 = tpu.vector_load %arg8[%get3A_490, %get3A_491] {strides = array<i32>} : memref<96x128xf32, #tpu.memory_space<vmem>>, vector<1x16xf32>,
        %get3A_493 = vector.shape_cast %get3A_492 : vector<1x16xf32> to vector<16xf32>
        %mul3A_494 = vector.broadcast %squeeze3A_487 : f32 to vector<16xf32>
        %mul3A_495 = arith.mulf %mul3A_494, %get3A_493 : vector<16xf32>
        %add3A_496 = arith.addf %add3A_485, %mul3A_495 : vector<16xf32>
        %swap3A_497 = arith.index_cast %scan3A_24 : i32 to index
        %swap3A_498 = arith.constant 96 : index
        %swap3A_499 = tpu.vector_load %arg9[%swap3A_497, %swap3A_498] {strides = array<i32>} : memref<16x128xf32, #tpu.memory_space<vmem>>, vector<1x16xf32>,
        %swap3A_500 = vector.shape_cast %swap3A_499 : vector<1x16xf32> to vector<16xf32>
        %swap3A_501 = vector.shape_cast %add3A_496 : vector<16xf32> to vector<1x16xf32>
        tpu.vector_store %arg9[%swap3A_497, %swap3A_498], %swap3A_501 {strides = array<i32>} : memref<16x128xf32, #tpu.memory_space<vmem>>, vector<1x16xf32>,
        %slice3A_502 = vector.extract_strided_slice %get3A_28 {offsets = [0], sizes = [1], strides = [1]} : vector<16xf32> to vector<1xf32>
        %squeeze3A_503 = vector.extract %slice3A_502[0] : f32 from vector<1xf32>
        %get3A_504 = arith.index_cast %mul3A_26 : i32 to index
        %get3A_505 = arith.constant 112 : index
        %get3A_506 = tpu.vector_load %arg8[%get3A_504, %get3A_505] {strides = array<i32>} : memref<96x128xf32, #tpu.memory_space<vmem>>, vector<1x16xf32>,
        %get3A_507 = vector.shape_cast %get3A_506 : vector<1x16xf32> to vector<16xf32>
        %mul3A_508 = vector.broadcast %squeeze3A_503 : f32 to vector<16xf32>
        %mul3A_509 = arith.mulf %mul3A_508, %get3A_507 : vector<16xf32>
        %slice3A_510 = vector.extract_strided_slice %get3A_28 {offsets = [1], sizes = [1], strides = [1]} : vector<16xf32> to vector<1xf32>
        %squeeze3A_511 = vector.extract %slice3A_510[0] : f32 from vector<1xf32>
        %add3A_512 = arith.constant 1 : i32
        %add3A_513 = arith.addi %mul3A_26, %add3A_512 : i32
        %get3A_514 = arith.index_cast %add3A_513 : i32 to index
        %get3A_515 = arith.constant 112 : index
        %get3A_516 = tpu.vector_load %arg8[%get3A_514, %get3A_515] {strides = array<i32>} : memref<96x128xf32, #tpu.memory_space<vmem>>, vector<1x16xf32>,
        %get3A_517 = vector.shape_cast %get3A_516 : vector<1x16xf32> to vector<16xf32>
        %mul3A_518 = vector.broadcast %squeeze3A_511 : f32 to vector<16xf32>
        %mul3A_519 = arith.mulf %mul3A_518, %get3A_517 : vector<16xf32>
        %add3A_520 = arith.addf %mul3A_509, %mul3A_519 : vector<16xf32>
        %slice3A_521 = vector.extract_strided_slice %get3A_28 {offsets = [2], sizes = [1], strides = [1]} : vector<16xf32> to vector<1xf32>
        %squeeze3A_522 = vector.extract %slice3A_521[0] : f32 from vector<1xf32>
        %add3A_523 = arith.constant 2 : i32
        %add3A_524 = arith.addi %mul3A_26, %add3A_523 : i32
        %get3A_525 = arith.index_cast %add3A_524 : i32 to index
        %get3A_526 = arith.constant 112 : index
        %get3A_527 = tpu.vector_load %arg8[%get3A_525, %get3A_526] {strides = array<i32>} : memref<96x128xf32, #tpu.memory_space<vmem>>, vector<1x16xf32>,
        %get3A_528 = vector.shape_cast %get3A_527 : vector<1x16xf32> to vector<16xf32>
        %mul3A_529 = vector.broadcast %squeeze3A_522 : f32 to vector<16xf32>
        %mul3A_530 = arith.mulf %mul3A_529, %get3A_528 : vector<16xf32>
        %add3A_531 = arith.addf %add3A_520, %mul3A_530 : vector<16xf32>
        %slice3A_532 = vector.extract_strided_slice %get3A_28 {offsets = [3], sizes = [1], strides = [1]} : vector<16xf32> to vector<1xf32>
        %squeeze3A_533 = vector.extract %slice3A_532[0] : f32 from vector<1xf32>
        %add3A_534 = arith.constant 3 : i32
        %add3A_535 = arith.addi %mul3A_26, %add3A_534 : i32
        %get3A_536 = arith.index_cast %add3A_535 : i32 to index
        %get3A_537 = arith.constant 112 : index
        %get3A_538 = tpu.vector_load %arg8[%get3A_536, %get3A_537] {strides = array<i32>} : memref<96x128xf32, #tpu.memory_space<vmem>>, vector<1x16xf32>,
        %get3A_539 = vector.shape_cast %get3A_538 : vector<1x16xf32> to vector<16xf32>
        %mul3A_540 = vector.broadcast %squeeze3A_533 : f32 to vector<16xf32>
        %mul3A_541 = arith.mulf %mul3A_540, %get3A_539 : vector<16xf32>
        %add3A_542 = arith.addf %add3A_531, %mul3A_541 : vector<16xf32>
        %slice3A_543 = vector.extract_strided_slice %get3A_28 {offsets = [4], sizes = [1], strides = [1]} : vector<16xf32> to vector<1xf32>
        %squeeze3A_544 = vector.extract %slice3A_543[0] : f32 from vector<1xf32>
        %add3A_545 = arith.constant 4 : i32
        %add3A_546 = arith.addi %mul3A_26, %add3A_545 : i32
        %get3A_547 = arith.index_cast %add3A_546 : i32 to index
        %get3A_548 = arith.constant 112 : index
        %get3A_549 = tpu.vector_load %arg8[%get3A_547, %get3A_548] {strides = array<i32>} : memref<96x128xf32, #tpu.memory_space<vmem>>, vector<1x16xf32>,
        %get3A_550 = vector.shape_cast %get3A_549 : vector<1x16xf32> to vector<16xf32>
        %mul3A_551 = vector.broadcast %squeeze3A_544 : f32 to vector<16xf32>
        %mul3A_552 = arith.mulf %mul3A_551, %get3A_550 : vector<16xf32>
        %add3A_553 = arith.addf %add3A_542, %mul3A_552 : vector<16xf32>
        %slice3A_554 = vector.extract_strided_slice %get3A_28 {offsets = [5], sizes = [1], strides = [1]} : vector<16xf32> to vector<1xf32>
        %squeeze3A_555 = vector.extract %slice3A_554[0] : f32 from vector<1xf32>
        %add3A_556 = arith.constant 5 : i32
        %add3A_557 = arith.addi %mul3A_26, %add3A_556 : i32
        %get3A_558 = arith.index_cast %add3A_557 : i32 to index
        %get3A_559 = arith.constant 112 : index
        %get3A_560 = tpu.vector_load %arg8[%get3A_558, %get3A_559] {strides = array<i32>} : memref<96x128xf32, #tpu.memory_space<vmem>>, vector<1x16xf32>,
        %get3A_561 = vector.shape_cast %get3A_560 : vector<1x16xf32> to vector<16xf32>
        %mul3A_562 = vector.broadcast %squeeze3A_555 : f32 to vector<16xf32>
        %mul3A_563 = arith.mulf %mul3A_562, %get3A_561 : vector<16xf32>
        %add3A_564 = arith.addf %add3A_553, %mul3A_563 : vector<16xf32>
        %swap3A_565 = arith.index_cast %scan3A_24 : i32 to index
        %swap3A_566 = arith.constant 112 : index
        %swap3A_567 = tpu.vector_load %arg9[%swap3A_565, %swap3A_566] {strides = array<i32>} : memref<16x128xf32, #tpu.memory_space<vmem>>, vector<1x16xf32>,
        %swap3A_568 = vector.shape_cast %swap3A_567 : vector<1x16xf32> to vector<16xf32>
        %swap3A_569 = vector.shape_cast %add3A_564 : vector<16xf32> to vector<1x16xf32>
        tpu.vector_store %arg9[%swap3A_565, %swap3A_566], %swap3A_569 {strides = array<i32>} : memref<16x128xf32, #tpu.memory_space<vmem>>, vector<1x16xf32>,
      }
      %scan3A_23 = arith.constant 16 : i32
      "tpu.region"() ({
        %run_scoped3A = tpu.sem_alloc : memref<!tpu.dma_semaphore, #tpu.memory_space<semaphore_mem>>
        %dma_start3A_24 = arith.constant 0 : i32
        %dma_start3A_25 = tpu.memref_slice %arg5[%add3A_11, %dma_start3A_24] : memref<4096x128xf32, #tpu.memory_space<hbm>> -> memref<16x128xf32, #tpu.memory_space<hbm>>
        %dma_start3A_26 = arith.constant 0 : i32
        %dma_start3A_27 = tpu.memref_slice %arg5[%add3A_11, %dma_start3A_26] : memref<4096x128xf32, #tpu.memory_space<hbm>> -> memref<16x128xf32, #tpu.memory_space<hbm>>
        tpu.enqueue_dma source(%arg9 : memref<16x128xf32, #tpu.memory_space<vmem>>) target(%dma_start3A_27 : memref<16x128xf32, #tpu.memory_space<hbm>>) target_semaphore(%run_scoped3A : memref<!tpu.dma_semaphore, #tpu.memory_space<semaphore_mem>>)
        %dma_wait3A_28 = arith.constant 0 : i32
        %dma_wait3A_29 = tpu.memref_slice %arg5[%add3A_11, %dma_wait3A_28] : memref<4096x128xf32, #tpu.memory_space<hbm>> -> memref<16x128xf32, #tpu.memory_space<hbm>>
        %dma_wait3A_30 = arith.constant 0 : i32
        %dma_wait3A_31 = tpu.memref_slice %arg5[%add3A_11, %dma_wait3A_30] : memref<4096x128xf32, #tpu.memory_space<hbm>> -> memref<16x128xf32, #tpu.memory_space<hbm>>
        tpu.wait_dma2 semaphore(%run_scoped3A : memref<!tpu.dma_semaphore, #tpu.memory_space<semaphore_mem>>) src(%arg9 : memref<16x128xf32, #tpu.memory_space<vmem>>) dst(%dma_wait3A_31 : memref<16x128xf32, #tpu.memory_space<hbm>>)
        tpu.yield
      }) : () -> ()
    }
    %scan3A_7 = arith.constant 8 : i32
    return
  }
}

module attributes {stable_mosaic.version = 14 : i64} {
  func.func @_attn_kernel(%arg0: i32, %arg1: memref<64xi32, #tpu.memory_space<smem>>, %arg2: memref<8x5x64xi32, #tpu.memory_space<vmem>>, %arg3: memref<8x5x64xf32, #tpu.memory_space<vmem>>, %arg4: memref<4096x128xf32, #tpu.memory_space<vmem>>, %arg5: memref<128x2048xf32, #tpu.memory_space<vmem>>, %arg6: memref<2x2048xf32, #tpu.memory_space<vmem>>, %arg7: memref<8x512xf32, #tpu.memory_space<vmem>>, %arg8: memref<128x2xf32, #tpu.memory_space<vmem>>) attributes {dimension_semantics = [#tpu.dimension_semantics<arbitrary>], iteration_bounds = array<i64: 8>, scalar_prefetch = 1 : i64, scratch_operands = 1 : i64, tpu.core_type = #tpu.core_type<tc>, window_params = [{transform_indices = @transform_0, window_bounds = array<i64: 8, 5, 64>}, {transform_indices = @transform_1, window_bounds = array<i64: 8, 5, 64>}, {pipeline_mode = #tpu.pipeline_mode<synchronous>, transform_indices = @transform_2, window_bounds = array<i64: 4096, 128>}, {pipeline_mode = #tpu.pipeline_mode<synchronous>, transform_indices = @transform_3, window_bounds = array<i64: 128, 2048>}, {pipeline_mode = #tpu.pipeline_mode<synchronous>, transform_indices = @transform_4, window_bounds = array<i64: 2, 2048>}, {transform_indices = @transform_5, window_bounds = array<i64: 8, 512>}]} {
    %eq3A = arith.constant 0 : i32
    %eq3A_0 = arith.cmpi eq, %arg0, %eq3A : i32
    %convert_element_type3A = arith.extui %eq3A_0 : i1 to i32
    %cond3A = arith.constant 0 : i32
    %cond3A_1 = arith.cmpi ne, %convert_element_type3A, %cond3A : i32
    scf.if %cond3A_1 {
      %get3A_781 = arith.constant 0 : index
      %get3A_782 = arith.constant 0 : index
      %get3A_783 = vector.load %arg5[%get3A_781, %get3A_782] : memref<128x2048xf32, #tpu.memory_space<vmem>>, vector<128x2048xf32>
      %get3A_784 = arith.constant 0 : index
      %get3A_785 = arith.constant 0 : index
      %get3A_786 = vector.load %arg6[%get3A_784, %get3A_785] : memref<2x2048xf32, #tpu.memory_space<vmem>>, vector<2x2048xf32>
      %transpose3A = tpu.transpose %get3A_786, [1, 0] : vector<2x2048xf32> -> vector<2048x2xf32>
      %dot_general3A_787 = arith.constant dense<0.000000e+00> : vector<128x2xf32>
      %dot_general3A_788 = tpu.matmul %get3A_783, %transpose3A, %dot_general3A_787 {dimension_numbers = #tpu.dot_dimension_numbers<[1], [0], [0], [1], [0, 0, 1, 1], [], []>, transpose_lhs_hint = false} : vector<128x2048xf32>, vector<2048x2xf32>, vector<128x2xf32> -> vector<128x2xf32>
      %swap3A_789 = arith.constant 0 : index
      %swap3A_790 = arith.constant 0 : index
      %swap3A_791 = vector.load %arg8[%swap3A_789, %swap3A_790] : memref<128x2xf32, #tpu.memory_space<vmem>>, vector<128x2xf32>
      tpu.vector_store %arg8[%swap3A_789, %swap3A_790], %dot_general3A_788 {strides = array<i32>} : memref<128x2xf32, #tpu.memory_space<vmem>>, vector<128x2xf32>,
    } else {
    }
    %get3A = arith.constant 0 : index
    %get3A_2 = arith.constant 0 : index
    %get3A_3 = vector.load %arg8[%get3A, %get3A_2] : memref<128x2xf32, #tpu.memory_space<vmem>>, vector<128x2xf32>
    %mul3A = arith.constant 8 : i32
    %mul3A_4 = arith.muli %arg0, %mul3A : i32
    %mul3A_5 = arith.constant 64 : i32
    %mul3A_6 = arith.muli %mul3A_4, %mul3A_5 : i32
    %get3A_7 = arith.index_cast %mul3A_6 : i32 to index
    %get3A_8 = arith.constant 0 : index
    %get3A_9 = vector.load %arg4[%get3A_7, %get3A_8] : memref<4096x128xf32, #tpu.memory_space<vmem>>, vector<512x128xf32>
    %dot_general3A = arith.constant dense<0.000000e+00> : vector<2x512xf32>
    %dot_general3A_10 = tpu.matmul %get3A_3, %get3A_9, %dot_general3A {dimension_numbers = #tpu.dot_dimension_numbers<[0], [1], [1], [0], [0, 1, 1, 0], [], []>, transpose_lhs_hint = false} : vector<128x2xf32>, vector<512x128xf32>, vector<2x512xf32> -> vector<2x512xf32>
    %iota3A = tpu.iota {dimensions = array<i32: 1>} : vector<1x72x1xi32>
    %mul3A_11 = arith.constant 8 : i32
    %mul3A_12 = arith.muli %arg0, %mul3A_11 : i32
    %add3A = arith.constant 0 : i32
    %add3A_13 = arith.addi %mul3A_12, %add3A : i32
    %get3A_14 = arith.index_cast %add3A_13 : i32 to index
    %get3A_15 = memref.load %arg1[%get3A_14] : memref<64xi32, #tpu.memory_space<smem>>
    %jit3A = arith.constant 8 : i32
    %div3A = arith.divsi %get3A_15, %jit3A : i32
    %sign3A = arith.constant 0 : i32
    %sign3A_16 = arith.cmpi sgt, %get3A_15, %sign3A : i32
    %sign3A_17 = arith.extui %sign3A_16 : i1 to i32
    %sign3A_18 = arith.constant 0 : i32
    %sign3A_19 = arith.cmpi slt, %get3A_15, %sign3A_18 : i32
    %sign3A_20 = arith.extui %sign3A_19 : i1 to i32
    %sign3A_21 = arith.subi %sign3A_17, %sign3A_20 : i32
    %sign3A_22 = arith.constant 0 : i32
    %sign3A_23 = arith.cmpi sgt, %jit3A, %sign3A_22 : i32
    %sign3A_24 = arith.extui %sign3A_23 : i1 to i32
    %sign3A_25 = arith.constant 0 : i32
    %sign3A_26 = arith.cmpi slt, %jit3A, %sign3A_25 : i32
    %sign3A_27 = arith.extui %sign3A_26 : i1 to i32
    %sign3A_28 = arith.subi %sign3A_24, %sign3A_27 : i32
    %ne3A = arith.cmpi ne, %sign3A_21, %sign3A_28 : i32
    %rem3A = arith.remsi %get3A_15, %jit3A : i32
    %ne3A_29 = arith.constant 0 : i32
    %ne3A_30 = arith.cmpi ne, %rem3A, %ne3A_29 : i32
    %and3A = arith.andi %ne3A, %ne3A_30 : i1
    %sub3A = arith.constant 1 : i32
    %sub3A_31 = arith.subi %div3A, %sub3A : i32
    %select_n3A = arith.select %and3A, %sub3A_31, %div3A : i32
    %mul3A_32 = arith.constant 8 : i32
    %mul3A_33 = arith.muli %select_n3A, %mul3A_32 : i32
    %min3A = arith.constant 4024 : i32
    %min3A_34 = arith.minsi %mul3A_33, %min3A : i32
    %sub3A_35 = arith.subi %get3A_15, %min3A_34 : i32
    %get3A_36 = arith.index_cast %min3A_34 : i32 to index
    %get3A_37 = arith.constant 0 : index
    %get3A_38 = vector.load %arg4[%get3A_36, %get3A_37] : memref<4096x128xf32, #tpu.memory_space<vmem>>, vector<72x128xf32>
    %slice3A = vector.extract_strided_slice %get3A_3 {offsets = [0, 1], sizes = [128, 1], strides = [1, 1]} : vector<128x2xf32> to vector<128x1xf32>
    %dot_general3A_39 = arith.constant dense<0.000000e+00> : vector<72x1xf32>
    %dot_general3A_40 = tpu.matmul %get3A_38, %slice3A, %dot_general3A_39 {dimension_numbers = #tpu.dot_dimension_numbers<[1], [0], [0], [1], [0, 0, 1, 1], [], []>, transpose_lhs_hint = false} : vector<72x128xf32>, vector<128x1xf32>, vector<72x1xf32> -> vector<72x1xf32>
    %get3A_41 = arith.constant 0 : index
    %get3A_42 = arith.constant 0 : index
    %get3A_43 = arith.constant 0 : index
    %get3A_44 = vector.load %arg2[%get3A_41, %get3A_42, %get3A_43] : memref<8x5x64xi32, #tpu.memory_space<vmem>>, vector<1x5x64xi32>
    %get3A_45 = vector.shape_cast %get3A_44 : vector<1x5x64xi32> to vector<5x64xi32>
    %add3A_46 = vector.broadcast %sub3A_35 : i32 to vector<5x64xi32>
    %add3A_47 = arith.addi %get3A_45, %add3A_46 : vector<5x64xi32>
    %get3A_48 = arith.constant 0 : index
    %get3A_49 = arith.constant 0 : index
    %get3A_50 = arith.constant 0 : index
    %get3A_51 = vector.load %arg3[%get3A_48, %get3A_49, %get3A_50] : memref<8x5x64xf32, #tpu.memory_space<vmem>>, vector<1x5x64xf32>
    %get3A_52 = vector.shape_cast %get3A_51 : vector<1x5x64xf32> to vector<5x64xf32>
    %broadcast_in_dim3A = vector.shape_cast %add3A_47 : vector<5x64xi32> to vector<5x1x64xi32>
    %eq3A_53 = vector.broadcast %broadcast_in_dim3A : vector<5x1x64xi32> to vector<5x72x64xi32>
    %eq3A_54 = vector.broadcast %iota3A : vector<1x72x1xi32> to vector<5x72x64xi32>
    %eq3A_55 = arith.cmpi eq, %eq3A_53, %eq3A_54 : vector<5x72x64xi32>
    %broadcast_in_dim3A_56 = vector.shape_cast %get3A_52 : vector<5x64xf32> to vector<5x1x64xf32>
    %jit3A_57 = arith.constant 0.000000e+00 : f32
    %broadcast_in_dim3A_58 = vector.shape_cast %broadcast_in_dim3A_56 : vector<5x1x64xf32> to vector<5x1x64xf32>
    %broadcast_in_dim3A_59 = vector.broadcast %broadcast_in_dim3A_58 : vector<5x1x64xf32> to vector<5x72x64xf32>
    %broadcast_in_dim3A_60 = vector.broadcast %jit3A_57 : f32 to vector<5x72x64xf32>
    %select_n3A_61 = arith.select %eq3A_55, %broadcast_in_dim3A_59, %broadcast_in_dim3A_60 : vector<5x72x64xi1>, vector<5x72x64xf32>
    %broadcast_in_dim3A_62 = vector.shape_cast %dot_general3A_40 : vector<72x1xf32> to vector<1x72x1xf32>
    %mul3A_63 = vector.broadcast %broadcast_in_dim3A_62 : vector<1x72x1xf32> to vector<5x72x64xf32>
    %mul3A_64 = arith.mulf %select_n3A_61, %mul3A_63 : vector<5x72x64xf32>
    %reduce_sum3A = arith.constant dense<0.000000e+00> : vector<5x64xf32>
    %reduce_sum3A_65 = vector.multi_reduction <add>, %mul3A_64, %reduce_sum3A [1] : vector<5x72x64xf32> to vector<5x64xf32>
    %slice3A_66 = vector.extract_strided_slice %dot_general3A_10 {offsets = [0, 0], sizes = [1, 64], strides = [1, 1]} : vector<2x512xf32> to vector<1x64xf32>
    %slice3A_67 = vector.extract_strided_slice %dot_general3A_10 {offsets = [1, 0], sizes = [1, 64], strides = [1, 1]} : vector<2x512xf32> to vector<1x64xf32>
    %add3A_68 = arith.addf %slice3A_66, %slice3A_67 : vector<1x64xf32>
    %add3A_69 = vector.broadcast %slice3A_66 : vector<1x64xf32> to vector<5x64xf32>
    %add3A_70 = arith.addf %add3A_69, %reduce_sum3A_65 : vector<5x64xf32>
    %concatenate3A = tpu.concatenate %add3A_68, %add3A_70 in 0 : vector<1x64xf32>, vector<5x64xf32> -> vector<6x64xf32>
    %ge3A = arith.constant 0.000000e+00 : f32
    %ge3A_71 = vector.broadcast %ge3A : f32 to vector<6x64xf32>
    %ge3A_72 = arith.cmpf oge, %concatenate3A, %ge3A_71 : vector<6x64xf32>
    %mul3A_73 = arith.constant 2.000000e-01 : f32
    %mul3A_74 = vector.broadcast %mul3A_73 : f32 to vector<6x64xf32>
    %mul3A_75 = arith.mulf %mul3A_74, %concatenate3A : vector<6x64xf32>
    %select_n3A_76 = arith.select %ge3A_72, %concatenate3A, %mul3A_75 : vector<6x64xi1>, vector<6x64xf32>
    %reduce_max3A = arith.constant dense<0xFF800000> : vector<64xf32>
    %reduce_max3A_77 = vector.multi_reduction <maximumf>, %select_n3A_76, %reduce_max3A [0] : vector<6x64xf32> to vector<64xf32>
    %broadcast_in_dim3A_78 = vector.shape_cast %reduce_max3A_77 : vector<64xf32> to vector<1x64xf32>
    %sub3A_79 = vector.broadcast %broadcast_in_dim3A_78 : vector<1x64xf32> to vector<6x64xf32>
    %sub3A_80 = arith.subf %select_n3A_76, %sub3A_79 : vector<6x64xf32>
    %exp3A = math.exp %sub3A_80 : vector<6x64xf32>
    %reduce_sum3A_81 = arith.constant dense<0.000000e+00> : vector<64xf32>
    %reduce_sum3A_82 = vector.multi_reduction <add>, %exp3A, %reduce_sum3A_81 [0] : vector<6x64xf32> to vector<64xf32>
    %broadcast_in_dim3A_83 = vector.shape_cast %reduce_sum3A_82 : vector<64xf32> to vector<1x64xf32>
    %div3A_84 = vector.broadcast %broadcast_in_dim3A_83 : vector<1x64xf32> to vector<6x64xf32>
    %div3A_85 = arith.divf %exp3A, %div3A_84 : vector<6x64xf32>
    %slice3A_86 = vector.extract_strided_slice %div3A_85 {offsets = [0, 0], sizes = [1, 64], strides = [1, 1]} : vector<6x64xf32> to vector<1x64xf32>
    %slice3A_87 = vector.extract_strided_slice %div3A_85 {offsets = [1, 0], sizes = [5, 64], strides = [1, 1]} : vector<6x64xf32> to vector<5x64xf32>
    %mul3A_88 = arith.mulf %slice3A_87, %get3A_52 : vector<5x64xf32>
    %broadcast_in_dim3A_89 = arith.constant 0.000000e+00 : f32
    %broadcast_in_dim3A_90 = vector.broadcast %broadcast_in_dim3A_89 : f32 to vector<2x64xf32>
    %concatenate3A_91 = tpu.concatenate %slice3A_86, %mul3A_88, %broadcast_in_dim3A_90 in 0 : vector<1x64xf32>, vector<5x64xf32>, vector<2x64xf32> -> vector<8x64xf32>
    %mul3A_92 = arith.constant 8 : i32
    %mul3A_93 = arith.muli %arg0, %mul3A_92 : i32
    %add3A_94 = arith.constant 1 : i32
    %add3A_95 = arith.addi %mul3A_93, %add3A_94 : i32
    %get3A_96 = arith.index_cast %add3A_95 : i32 to index
    %get3A_97 = memref.load %arg1[%get3A_96] : memref<64xi32, #tpu.memory_space<smem>>
    %jit3A_98 = arith.constant 8 : i32
    %div3A_99 = arith.divsi %get3A_97, %jit3A_98 : i32
    %sign3A_100 = arith.constant 0 : i32
    %sign3A_101 = arith.cmpi sgt, %get3A_97, %sign3A_100 : i32
    %sign3A_102 = arith.extui %sign3A_101 : i1 to i32
    %sign3A_103 = arith.constant 0 : i32
    %sign3A_104 = arith.cmpi slt, %get3A_97, %sign3A_103 : i32
    %sign3A_105 = arith.extui %sign3A_104 : i1 to i32
    %sign3A_106 = arith.subi %sign3A_102, %sign3A_105 : i32
    %sign3A_107 = arith.constant 0 : i32
    %sign3A_108 = arith.cmpi sgt, %jit3A_98, %sign3A_107 : i32
    %sign3A_109 = arith.extui %sign3A_108 : i1 to i32
    %sign3A_110 = arith.constant 0 : i32
    %sign3A_111 = arith.cmpi slt, %jit3A_98, %sign3A_110 : i32
    %sign3A_112 = arith.extui %sign3A_111 : i1 to i32
    %sign3A_113 = arith.subi %sign3A_109, %sign3A_112 : i32
    %ne3A_114 = arith.cmpi ne, %sign3A_106, %sign3A_113 : i32
    %rem3A_115 = arith.remsi %get3A_97, %jit3A_98 : i32
    %ne3A_116 = arith.constant 0 : i32
    %ne3A_117 = arith.cmpi ne, %rem3A_115, %ne3A_116 : i32
    %and3A_118 = arith.andi %ne3A_114, %ne3A_117 : i1
    %sub3A_119 = arith.constant 1 : i32
    %sub3A_120 = arith.subi %div3A_99, %sub3A_119 : i32
    %select_n3A_121 = arith.select %and3A_118, %sub3A_120, %div3A_99 : i32
    %mul3A_122 = arith.constant 8 : i32
    %mul3A_123 = arith.muli %select_n3A_121, %mul3A_122 : i32
    %min3A_124 = arith.constant 4024 : i32
    %min3A_125 = arith.minsi %mul3A_123, %min3A_124 : i32
    %sub3A_126 = arith.subi %get3A_97, %min3A_125 : i32
    %get3A_127 = arith.index_cast %min3A_125 : i32 to index
    %get3A_128 = arith.constant 0 : index
    %get3A_129 = vector.load %arg4[%get3A_127, %get3A_128] : memref<4096x128xf32, #tpu.memory_space<vmem>>, vector<72x128xf32>
    %slice3A_130 = vector.extract_strided_slice %get3A_3 {offsets = [0, 1], sizes = [128, 1], strides = [1, 1]} : vector<128x2xf32> to vector<128x1xf32>
    %dot_general3A_131 = arith.constant dense<0.000000e+00> : vector<72x1xf32>
    %dot_general3A_132 = tpu.matmul %get3A_129, %slice3A_130, %dot_general3A_131 {dimension_numbers = #tpu.dot_dimension_numbers<[1], [0], [0], [1], [0, 0, 1, 1], [], []>, transpose_lhs_hint = false} : vector<72x128xf32>, vector<128x1xf32>, vector<72x1xf32> -> vector<72x1xf32>
    %get3A_133 = arith.constant 1 : index
    %get3A_134 = arith.constant 0 : index
    %get3A_135 = arith.constant 0 : index
    %get3A_136 = vector.load %arg2[%get3A_133, %get3A_134, %get3A_135] : memref<8x5x64xi32, #tpu.memory_space<vmem>>, vector<1x5x64xi32>
    %get3A_137 = vector.shape_cast %get3A_136 : vector<1x5x64xi32> to vector<5x64xi32>
    %add3A_138 = vector.broadcast %sub3A_126 : i32 to vector<5x64xi32>
    %add3A_139 = arith.addi %get3A_137, %add3A_138 : vector<5x64xi32>
    %get3A_140 = arith.constant 1 : index
    %get3A_141 = arith.constant 0 : index
    %get3A_142 = arith.constant 0 : index
    %get3A_143 = vector.load %arg3[%get3A_140, %get3A_141, %get3A_142] : memref<8x5x64xf32, #tpu.memory_space<vmem>>, vector<1x5x64xf32>
    %get3A_144 = vector.shape_cast %get3A_143 : vector<1x5x64xf32> to vector<5x64xf32>
    %broadcast_in_dim3A_145 = vector.shape_cast %add3A_139 : vector<5x64xi32> to vector<5x1x64xi32>
    %eq3A_146 = vector.broadcast %broadcast_in_dim3A_145 : vector<5x1x64xi32> to vector<5x72x64xi32>
    %eq3A_147 = vector.broadcast %iota3A : vector<1x72x1xi32> to vector<5x72x64xi32>
    %eq3A_148 = arith.cmpi eq, %eq3A_146, %eq3A_147 : vector<5x72x64xi32>
    %broadcast_in_dim3A_149 = vector.shape_cast %get3A_144 : vector<5x64xf32> to vector<5x1x64xf32>
    %jit3A_150 = arith.constant 0.000000e+00 : f32
    %broadcast_in_dim3A_151 = vector.shape_cast %broadcast_in_dim3A_149 : vector<5x1x64xf32> to vector<5x1x64xf32>
    %broadcast_in_dim3A_152 = vector.broadcast %broadcast_in_dim3A_151 : vector<5x1x64xf32> to vector<5x72x64xf32>
    %broadcast_in_dim3A_153 = vector.broadcast %jit3A_150 : f32 to vector<5x72x64xf32>
    %select_n3A_154 = arith.select %eq3A_148, %broadcast_in_dim3A_152, %broadcast_in_dim3A_153 : vector<5x72x64xi1>, vector<5x72x64xf32>
    %broadcast_in_dim3A_155 = vector.shape_cast %dot_general3A_132 : vector<72x1xf32> to vector<1x72x1xf32>
    %mul3A_156 = vector.broadcast %broadcast_in_dim3A_155 : vector<1x72x1xf32> to vector<5x72x64xf32>
    %mul3A_157 = arith.mulf %select_n3A_154, %mul3A_156 : vector<5x72x64xf32>
    %reduce_sum3A_158 = arith.constant dense<0.000000e+00> : vector<5x64xf32>
    %reduce_sum3A_159 = vector.multi_reduction <add>, %mul3A_157, %reduce_sum3A_158 [1] : vector<5x72x64xf32> to vector<5x64xf32>
    %slice3A_160 = vector.extract_strided_slice %dot_general3A_10 {offsets = [0, 64], sizes = [1, 64], strides = [1, 1]} : vector<2x512xf32> to vector<1x64xf32>
    %slice3A_161 = vector.extract_strided_slice %dot_general3A_10 {offsets = [1, 64], sizes = [1, 64], strides = [1, 1]} : vector<2x512xf32> to vector<1x64xf32>
    %add3A_162 = arith.addf %slice3A_160, %slice3A_161 : vector<1x64xf32>
    %add3A_163 = vector.broadcast %slice3A_160 : vector<1x64xf32> to vector<5x64xf32>
    %add3A_164 = arith.addf %add3A_163, %reduce_sum3A_159 : vector<5x64xf32>
    %concatenate3A_165 = tpu.concatenate %add3A_162, %add3A_164 in 0 : vector<1x64xf32>, vector<5x64xf32> -> vector<6x64xf32>
    %ge3A_166 = arith.constant 0.000000e+00 : f32
    %ge3A_167 = vector.broadcast %ge3A_166 : f32 to vector<6x64xf32>
    %ge3A_168 = arith.cmpf oge, %concatenate3A_165, %ge3A_167 : vector<6x64xf32>
    %mul3A_169 = arith.constant 2.000000e-01 : f32
    %mul3A_170 = vector.broadcast %mul3A_169 : f32 to vector<6x64xf32>
    %mul3A_171 = arith.mulf %mul3A_170, %concatenate3A_165 : vector<6x64xf32>
    %select_n3A_172 = arith.select %ge3A_168, %concatenate3A_165, %mul3A_171 : vector<6x64xi1>, vector<6x64xf32>
    %reduce_max3A_173 = arith.constant dense<0xFF800000> : vector<64xf32>
    %reduce_max3A_174 = vector.multi_reduction <maximumf>, %select_n3A_172, %reduce_max3A_173 [0] : vector<6x64xf32> to vector<64xf32>
    %broadcast_in_dim3A_175 = vector.shape_cast %reduce_max3A_174 : vector<64xf32> to vector<1x64xf32>
    %sub3A_176 = vector.broadcast %broadcast_in_dim3A_175 : vector<1x64xf32> to vector<6x64xf32>
    %sub3A_177 = arith.subf %select_n3A_172, %sub3A_176 : vector<6x64xf32>
    %exp3A_178 = math.exp %sub3A_177 : vector<6x64xf32>
    %reduce_sum3A_179 = arith.constant dense<0.000000e+00> : vector<64xf32>
    %reduce_sum3A_180 = vector.multi_reduction <add>, %exp3A_178, %reduce_sum3A_179 [0] : vector<6x64xf32> to vector<64xf32>
    %broadcast_in_dim3A_181 = vector.shape_cast %reduce_sum3A_180 : vector<64xf32> to vector<1x64xf32>
    %div3A_182 = vector.broadcast %broadcast_in_dim3A_181 : vector<1x64xf32> to vector<6x64xf32>
    %div3A_183 = arith.divf %exp3A_178, %div3A_182 : vector<6x64xf32>
    %slice3A_184 = vector.extract_strided_slice %div3A_183 {offsets = [0, 0], sizes = [1, 64], strides = [1, 1]} : vector<6x64xf32> to vector<1x64xf32>
    %slice3A_185 = vector.extract_strided_slice %div3A_183 {offsets = [1, 0], sizes = [5, 64], strides = [1, 1]} : vector<6x64xf32> to vector<5x64xf32>
    %mul3A_186 = arith.mulf %slice3A_185, %get3A_144 : vector<5x64xf32>
    %broadcast_in_dim3A_187 = arith.constant 0.000000e+00 : f32
    %broadcast_in_dim3A_188 = vector.broadcast %broadcast_in_dim3A_187 : f32 to vector<2x64xf32>
    %concatenate3A_189 = tpu.concatenate %slice3A_184, %mul3A_186, %broadcast_in_dim3A_188 in 0 : vector<1x64xf32>, vector<5x64xf32>, vector<2x64xf32> -> vector<8x64xf32>
    %mul3A_190 = arith.constant 8 : i32
    %mul3A_191 = arith.muli %arg0, %mul3A_190 : i32
    %add3A_192 = arith.constant 2 : i32
    %add3A_193 = arith.addi %mul3A_191, %add3A_192 : i32
    %get3A_194 = arith.index_cast %add3A_193 : i32 to index
    %get3A_195 = memref.load %arg1[%get3A_194] : memref<64xi32, #tpu.memory_space<smem>>
    %jit3A_196 = arith.constant 8 : i32
    %div3A_197 = arith.divsi %get3A_195, %jit3A_196 : i32
    %sign3A_198 = arith.constant 0 : i32
    %sign3A_199 = arith.cmpi sgt, %get3A_195, %sign3A_198 : i32
    %sign3A_200 = arith.extui %sign3A_199 : i1 to i32
    %sign3A_201 = arith.constant 0 : i32
    %sign3A_202 = arith.cmpi slt, %get3A_195, %sign3A_201 : i32
    %sign3A_203 = arith.extui %sign3A_202 : i1 to i32
    %sign3A_204 = arith.subi %sign3A_200, %sign3A_203 : i32
    %sign3A_205 = arith.constant 0 : i32
    %sign3A_206 = arith.cmpi sgt, %jit3A_196, %sign3A_205 : i32
    %sign3A_207 = arith.extui %sign3A_206 : i1 to i32
    %sign3A_208 = arith.constant 0 : i32
    %sign3A_209 = arith.cmpi slt, %jit3A_196, %sign3A_208 : i32
    %sign3A_210 = arith.extui %sign3A_209 : i1 to i32
    %sign3A_211 = arith.subi %sign3A_207, %sign3A_210 : i32
    %ne3A_212 = arith.cmpi ne, %sign3A_204, %sign3A_211 : i32
    %rem3A_213 = arith.remsi %get3A_195, %jit3A_196 : i32
    %ne3A_214 = arith.constant 0 : i32
    %ne3A_215 = arith.cmpi ne, %rem3A_213, %ne3A_214 : i32
    %and3A_216 = arith.andi %ne3A_212, %ne3A_215 : i1
    %sub3A_217 = arith.constant 1 : i32
    %sub3A_218 = arith.subi %div3A_197, %sub3A_217 : i32
    %select_n3A_219 = arith.select %and3A_216, %sub3A_218, %div3A_197 : i32
    %mul3A_220 = arith.constant 8 : i32
    %mul3A_221 = arith.muli %select_n3A_219, %mul3A_220 : i32
    %min3A_222 = arith.constant 4024 : i32
    %min3A_223 = arith.minsi %mul3A_221, %min3A_222 : i32
    %sub3A_224 = arith.subi %get3A_195, %min3A_223 : i32
    %get3A_225 = arith.index_cast %min3A_223 : i32 to index
    %get3A_226 = arith.constant 0 : index
    %get3A_227 = vector.load %arg4[%get3A_225, %get3A_226] : memref<4096x128xf32, #tpu.memory_space<vmem>>, vector<72x128xf32>
    %slice3A_228 = vector.extract_strided_slice %get3A_3 {offsets = [0, 1], sizes = [128, 1], strides = [1, 1]} : vector<128x2xf32> to vector<128x1xf32>
    %dot_general3A_229 = arith.constant dense<0.000000e+00> : vector<72x1xf32>
    %dot_general3A_230 = tpu.matmul %get3A_227, %slice3A_228, %dot_general3A_229 {dimension_numbers = #tpu.dot_dimension_numbers<[1], [0], [0], [1], [0, 0, 1, 1], [], []>, transpose_lhs_hint = false} : vector<72x128xf32>, vector<128x1xf32>, vector<72x1xf32> -> vector<72x1xf32>
    %get3A_231 = arith.constant 2 : index
    %get3A_232 = arith.constant 0 : index
    %get3A_233 = arith.constant 0 : index
    %get3A_234 = vector.load %arg2[%get3A_231, %get3A_232, %get3A_233] : memref<8x5x64xi32, #tpu.memory_space<vmem>>, vector<1x5x64xi32>
    %get3A_235 = vector.shape_cast %get3A_234 : vector<1x5x64xi32> to vector<5x64xi32>
    %add3A_236 = vector.broadcast %sub3A_224 : i32 to vector<5x64xi32>
    %add3A_237 = arith.addi %get3A_235, %add3A_236 : vector<5x64xi32>
    %get3A_238 = arith.constant 2 : index
    %get3A_239 = arith.constant 0 : index
    %get3A_240 = arith.constant 0 : index
    %get3A_241 = vector.load %arg3[%get3A_238, %get3A_239, %get3A_240] : memref<8x5x64xf32, #tpu.memory_space<vmem>>, vector<1x5x64xf32>
    %get3A_242 = vector.shape_cast %get3A_241 : vector<1x5x64xf32> to vector<5x64xf32>
    %broadcast_in_dim3A_243 = vector.shape_cast %add3A_237 : vector<5x64xi32> to vector<5x1x64xi32>
    %eq3A_244 = vector.broadcast %broadcast_in_dim3A_243 : vector<5x1x64xi32> to vector<5x72x64xi32>
    %eq3A_245 = vector.broadcast %iota3A : vector<1x72x1xi32> to vector<5x72x64xi32>
    %eq3A_246 = arith.cmpi eq, %eq3A_244, %eq3A_245 : vector<5x72x64xi32>
    %broadcast_in_dim3A_247 = vector.shape_cast %get3A_242 : vector<5x64xf32> to vector<5x1x64xf32>
    %jit3A_248 = arith.constant 0.000000e+00 : f32
    %broadcast_in_dim3A_249 = vector.shape_cast %broadcast_in_dim3A_247 : vector<5x1x64xf32> to vector<5x1x64xf32>
    %broadcast_in_dim3A_250 = vector.broadcast %broadcast_in_dim3A_249 : vector<5x1x64xf32> to vector<5x72x64xf32>
    %broadcast_in_dim3A_251 = vector.broadcast %jit3A_248 : f32 to vector<5x72x64xf32>
    %select_n3A_252 = arith.select %eq3A_246, %broadcast_in_dim3A_250, %broadcast_in_dim3A_251 : vector<5x72x64xi1>, vector<5x72x64xf32>
    %broadcast_in_dim3A_253 = vector.shape_cast %dot_general3A_230 : vector<72x1xf32> to vector<1x72x1xf32>
    %mul3A_254 = vector.broadcast %broadcast_in_dim3A_253 : vector<1x72x1xf32> to vector<5x72x64xf32>
    %mul3A_255 = arith.mulf %select_n3A_252, %mul3A_254 : vector<5x72x64xf32>
    %reduce_sum3A_256 = arith.constant dense<0.000000e+00> : vector<5x64xf32>
    %reduce_sum3A_257 = vector.multi_reduction <add>, %mul3A_255, %reduce_sum3A_256 [1] : vector<5x72x64xf32> to vector<5x64xf32>
    %slice3A_258 = vector.extract_strided_slice %dot_general3A_10 {offsets = [0, 128], sizes = [1, 64], strides = [1, 1]} : vector<2x512xf32> to vector<1x64xf32>
    %slice3A_259 = vector.extract_strided_slice %dot_general3A_10 {offsets = [1, 128], sizes = [1, 64], strides = [1, 1]} : vector<2x512xf32> to vector<1x64xf32>
    %add3A_260 = arith.addf %slice3A_258, %slice3A_259 : vector<1x64xf32>
    %add3A_261 = vector.broadcast %slice3A_258 : vector<1x64xf32> to vector<5x64xf32>
    %add3A_262 = arith.addf %add3A_261, %reduce_sum3A_257 : vector<5x64xf32>
    %concatenate3A_263 = tpu.concatenate %add3A_260, %add3A_262 in 0 : vector<1x64xf32>, vector<5x64xf32> -> vector<6x64xf32>
    %ge3A_264 = arith.constant 0.000000e+00 : f32
    %ge3A_265 = vector.broadcast %ge3A_264 : f32 to vector<6x64xf32>
    %ge3A_266 = arith.cmpf oge, %concatenate3A_263, %ge3A_265 : vector<6x64xf32>
    %mul3A_267 = arith.constant 2.000000e-01 : f32
    %mul3A_268 = vector.broadcast %mul3A_267 : f32 to vector<6x64xf32>
    %mul3A_269 = arith.mulf %mul3A_268, %concatenate3A_263 : vector<6x64xf32>
    %select_n3A_270 = arith.select %ge3A_266, %concatenate3A_263, %mul3A_269 : vector<6x64xi1>, vector<6x64xf32>
    %reduce_max3A_271 = arith.constant dense<0xFF800000> : vector<64xf32>
    %reduce_max3A_272 = vector.multi_reduction <maximumf>, %select_n3A_270, %reduce_max3A_271 [0] : vector<6x64xf32> to vector<64xf32>
    %broadcast_in_dim3A_273 = vector.shape_cast %reduce_max3A_272 : vector<64xf32> to vector<1x64xf32>
    %sub3A_274 = vector.broadcast %broadcast_in_dim3A_273 : vector<1x64xf32> to vector<6x64xf32>
    %sub3A_275 = arith.subf %select_n3A_270, %sub3A_274 : vector<6x64xf32>
    %exp3A_276 = math.exp %sub3A_275 : vector<6x64xf32>
    %reduce_sum3A_277 = arith.constant dense<0.000000e+00> : vector<64xf32>
    %reduce_sum3A_278 = vector.multi_reduction <add>, %exp3A_276, %reduce_sum3A_277 [0] : vector<6x64xf32> to vector<64xf32>
    %broadcast_in_dim3A_279 = vector.shape_cast %reduce_sum3A_278 : vector<64xf32> to vector<1x64xf32>
    %div3A_280 = vector.broadcast %broadcast_in_dim3A_279 : vector<1x64xf32> to vector<6x64xf32>
    %div3A_281 = arith.divf %exp3A_276, %div3A_280 : vector<6x64xf32>
    %slice3A_282 = vector.extract_strided_slice %div3A_281 {offsets = [0, 0], sizes = [1, 64], strides = [1, 1]} : vector<6x64xf32> to vector<1x64xf32>
    %slice3A_283 = vector.extract_strided_slice %div3A_281 {offsets = [1, 0], sizes = [5, 64], strides = [1, 1]} : vector<6x64xf32> to vector<5x64xf32>
    %mul3A_284 = arith.mulf %slice3A_283, %get3A_242 : vector<5x64xf32>
    %broadcast_in_dim3A_285 = arith.constant 0.000000e+00 : f32
    %broadcast_in_dim3A_286 = vector.broadcast %broadcast_in_dim3A_285 : f32 to vector<2x64xf32>
    %concatenate3A_287 = tpu.concatenate %slice3A_282, %mul3A_284, %broadcast_in_dim3A_286 in 0 : vector<1x64xf32>, vector<5x64xf32>, vector<2x64xf32> -> vector<8x64xf32>
    %mul3A_288 = arith.constant 8 : i32
    %mul3A_289 = arith.muli %arg0, %mul3A_288 : i32
    %add3A_290 = arith.constant 3 : i32
    %add3A_291 = arith.addi %mul3A_289, %add3A_290 : i32
    %get3A_292 = arith.index_cast %add3A_291 : i32 to index
    %get3A_293 = memref.load %arg1[%get3A_292] : memref<64xi32, #tpu.memory_space<smem>>
    %jit3A_294 = arith.constant 8 : i32
    %div3A_295 = arith.divsi %get3A_293, %jit3A_294 : i32
    %sign3A_296 = arith.constant 0 : i32
    %sign3A_297 = arith.cmpi sgt, %get3A_293, %sign3A_296 : i32
    %sign3A_298 = arith.extui %sign3A_297 : i1 to i32
    %sign3A_299 = arith.constant 0 : i32
    %sign3A_300 = arith.cmpi slt, %get3A_293, %sign3A_299 : i32
    %sign3A_301 = arith.extui %sign3A_300 : i1 to i32
    %sign3A_302 = arith.subi %sign3A_298, %sign3A_301 : i32
    %sign3A_303 = arith.constant 0 : i32
    %sign3A_304 = arith.cmpi sgt, %jit3A_294, %sign3A_303 : i32
    %sign3A_305 = arith.extui %sign3A_304 : i1 to i32
    %sign3A_306 = arith.constant 0 : i32
    %sign3A_307 = arith.cmpi slt, %jit3A_294, %sign3A_306 : i32
    %sign3A_308 = arith.extui %sign3A_307 : i1 to i32
    %sign3A_309 = arith.subi %sign3A_305, %sign3A_308 : i32
    %ne3A_310 = arith.cmpi ne, %sign3A_302, %sign3A_309 : i32
    %rem3A_311 = arith.remsi %get3A_293, %jit3A_294 : i32
    %ne3A_312 = arith.constant 0 : i32
    %ne3A_313 = arith.cmpi ne, %rem3A_311, %ne3A_312 : i32
    %and3A_314 = arith.andi %ne3A_310, %ne3A_313 : i1
    %sub3A_315 = arith.constant 1 : i32
    %sub3A_316 = arith.subi %div3A_295, %sub3A_315 : i32
    %select_n3A_317 = arith.select %and3A_314, %sub3A_316, %div3A_295 : i32
    %mul3A_318 = arith.constant 8 : i32
    %mul3A_319 = arith.muli %select_n3A_317, %mul3A_318 : i32
    %min3A_320 = arith.constant 4024 : i32
    %min3A_321 = arith.minsi %mul3A_319, %min3A_320 : i32
    %sub3A_322 = arith.subi %get3A_293, %min3A_321 : i32
    %get3A_323 = arith.index_cast %min3A_321 : i32 to index
    %get3A_324 = arith.constant 0 : index
    %get3A_325 = vector.load %arg4[%get3A_323, %get3A_324] : memref<4096x128xf32, #tpu.memory_space<vmem>>, vector<72x128xf32>
    %slice3A_326 = vector.extract_strided_slice %get3A_3 {offsets = [0, 1], sizes = [128, 1], strides = [1, 1]} : vector<128x2xf32> to vector<128x1xf32>
    %dot_general3A_327 = arith.constant dense<0.000000e+00> : vector<72x1xf32>
    %dot_general3A_328 = tpu.matmul %get3A_325, %slice3A_326, %dot_general3A_327 {dimension_numbers = #tpu.dot_dimension_numbers<[1], [0], [0], [1], [0, 0, 1, 1], [], []>, transpose_lhs_hint = false} : vector<72x128xf32>, vector<128x1xf32>, vector<72x1xf32> -> vector<72x1xf32>
    %get3A_329 = arith.constant 3 : index
    %get3A_330 = arith.constant 0 : index
    %get3A_331 = arith.constant 0 : index
    %get3A_332 = vector.load %arg2[%get3A_329, %get3A_330, %get3A_331] : memref<8x5x64xi32, #tpu.memory_space<vmem>>, vector<1x5x64xi32>
    %get3A_333 = vector.shape_cast %get3A_332 : vector<1x5x64xi32> to vector<5x64xi32>
    %add3A_334 = vector.broadcast %sub3A_322 : i32 to vector<5x64xi32>
    %add3A_335 = arith.addi %get3A_333, %add3A_334 : vector<5x64xi32>
    %get3A_336 = arith.constant 3 : index
    %get3A_337 = arith.constant 0 : index
    %get3A_338 = arith.constant 0 : index
    %get3A_339 = vector.load %arg3[%get3A_336, %get3A_337, %get3A_338] : memref<8x5x64xf32, #tpu.memory_space<vmem>>, vector<1x5x64xf32>
    %get3A_340 = vector.shape_cast %get3A_339 : vector<1x5x64xf32> to vector<5x64xf32>
    %broadcast_in_dim3A_341 = vector.shape_cast %add3A_335 : vector<5x64xi32> to vector<5x1x64xi32>
    %eq3A_342 = vector.broadcast %broadcast_in_dim3A_341 : vector<5x1x64xi32> to vector<5x72x64xi32>
    %eq3A_343 = vector.broadcast %iota3A : vector<1x72x1xi32> to vector<5x72x64xi32>
    %eq3A_344 = arith.cmpi eq, %eq3A_342, %eq3A_343 : vector<5x72x64xi32>
    %broadcast_in_dim3A_345 = vector.shape_cast %get3A_340 : vector<5x64xf32> to vector<5x1x64xf32>
    %jit3A_346 = arith.constant 0.000000e+00 : f32
    %broadcast_in_dim3A_347 = vector.shape_cast %broadcast_in_dim3A_345 : vector<5x1x64xf32> to vector<5x1x64xf32>
    %broadcast_in_dim3A_348 = vector.broadcast %broadcast_in_dim3A_347 : vector<5x1x64xf32> to vector<5x72x64xf32>
    %broadcast_in_dim3A_349 = vector.broadcast %jit3A_346 : f32 to vector<5x72x64xf32>
    %select_n3A_350 = arith.select %eq3A_344, %broadcast_in_dim3A_348, %broadcast_in_dim3A_349 : vector<5x72x64xi1>, vector<5x72x64xf32>
    %broadcast_in_dim3A_351 = vector.shape_cast %dot_general3A_328 : vector<72x1xf32> to vector<1x72x1xf32>
    %mul3A_352 = vector.broadcast %broadcast_in_dim3A_351 : vector<1x72x1xf32> to vector<5x72x64xf32>
    %mul3A_353 = arith.mulf %select_n3A_350, %mul3A_352 : vector<5x72x64xf32>
    %reduce_sum3A_354 = arith.constant dense<0.000000e+00> : vector<5x64xf32>
    %reduce_sum3A_355 = vector.multi_reduction <add>, %mul3A_353, %reduce_sum3A_354 [1] : vector<5x72x64xf32> to vector<5x64xf32>
    %slice3A_356 = vector.extract_strided_slice %dot_general3A_10 {offsets = [0, 192], sizes = [1, 64], strides = [1, 1]} : vector<2x512xf32> to vector<1x64xf32>
    %slice3A_357 = vector.extract_strided_slice %dot_general3A_10 {offsets = [1, 192], sizes = [1, 64], strides = [1, 1]} : vector<2x512xf32> to vector<1x64xf32>
    %add3A_358 = arith.addf %slice3A_356, %slice3A_357 : vector<1x64xf32>
    %add3A_359 = vector.broadcast %slice3A_356 : vector<1x64xf32> to vector<5x64xf32>
    %add3A_360 = arith.addf %add3A_359, %reduce_sum3A_355 : vector<5x64xf32>
    %concatenate3A_361 = tpu.concatenate %add3A_358, %add3A_360 in 0 : vector<1x64xf32>, vector<5x64xf32> -> vector<6x64xf32>
    %ge3A_362 = arith.constant 0.000000e+00 : f32
    %ge3A_363 = vector.broadcast %ge3A_362 : f32 to vector<6x64xf32>
    %ge3A_364 = arith.cmpf oge, %concatenate3A_361, %ge3A_363 : vector<6x64xf32>
    %mul3A_365 = arith.constant 2.000000e-01 : f32
    %mul3A_366 = vector.broadcast %mul3A_365 : f32 to vector<6x64xf32>
    %mul3A_367 = arith.mulf %mul3A_366, %concatenate3A_361 : vector<6x64xf32>
    %select_n3A_368 = arith.select %ge3A_364, %concatenate3A_361, %mul3A_367 : vector<6x64xi1>, vector<6x64xf32>
    %reduce_max3A_369 = arith.constant dense<0xFF800000> : vector<64xf32>
    %reduce_max3A_370 = vector.multi_reduction <maximumf>, %select_n3A_368, %reduce_max3A_369 [0] : vector<6x64xf32> to vector<64xf32>
    %broadcast_in_dim3A_371 = vector.shape_cast %reduce_max3A_370 : vector<64xf32> to vector<1x64xf32>
    %sub3A_372 = vector.broadcast %broadcast_in_dim3A_371 : vector<1x64xf32> to vector<6x64xf32>
    %sub3A_373 = arith.subf %select_n3A_368, %sub3A_372 : vector<6x64xf32>
    %exp3A_374 = math.exp %sub3A_373 : vector<6x64xf32>
    %reduce_sum3A_375 = arith.constant dense<0.000000e+00> : vector<64xf32>
    %reduce_sum3A_376 = vector.multi_reduction <add>, %exp3A_374, %reduce_sum3A_375 [0] : vector<6x64xf32> to vector<64xf32>
    %broadcast_in_dim3A_377 = vector.shape_cast %reduce_sum3A_376 : vector<64xf32> to vector<1x64xf32>
    %div3A_378 = vector.broadcast %broadcast_in_dim3A_377 : vector<1x64xf32> to vector<6x64xf32>
    %div3A_379 = arith.divf %exp3A_374, %div3A_378 : vector<6x64xf32>
    %slice3A_380 = vector.extract_strided_slice %div3A_379 {offsets = [0, 0], sizes = [1, 64], strides = [1, 1]} : vector<6x64xf32> to vector<1x64xf32>
    %slice3A_381 = vector.extract_strided_slice %div3A_379 {offsets = [1, 0], sizes = [5, 64], strides = [1, 1]} : vector<6x64xf32> to vector<5x64xf32>
    %mul3A_382 = arith.mulf %slice3A_381, %get3A_340 : vector<5x64xf32>
    %broadcast_in_dim3A_383 = arith.constant 0.000000e+00 : f32
    %broadcast_in_dim3A_384 = vector.broadcast %broadcast_in_dim3A_383 : f32 to vector<2x64xf32>
    %concatenate3A_385 = tpu.concatenate %slice3A_380, %mul3A_382, %broadcast_in_dim3A_384 in 0 : vector<1x64xf32>, vector<5x64xf32>, vector<2x64xf32> -> vector<8x64xf32>
    %mul3A_386 = arith.constant 8 : i32
    %mul3A_387 = arith.muli %arg0, %mul3A_386 : i32
    %add3A_388 = arith.constant 4 : i32
    %add3A_389 = arith.addi %mul3A_387, %add3A_388 : i32
    %get3A_390 = arith.index_cast %add3A_389 : i32 to index
    %get3A_391 = memref.load %arg1[%get3A_390] : memref<64xi32, #tpu.memory_space<smem>>
    %jit3A_392 = arith.constant 8 : i32
    %div3A_393 = arith.divsi %get3A_391, %jit3A_392 : i32
    %sign3A_394 = arith.constant 0 : i32
    %sign3A_395 = arith.cmpi sgt, %get3A_391, %sign3A_394 : i32
    %sign3A_396 = arith.extui %sign3A_395 : i1 to i32
    %sign3A_397 = arith.constant 0 : i32
    %sign3A_398 = arith.cmpi slt, %get3A_391, %sign3A_397 : i32
    %sign3A_399 = arith.extui %sign3A_398 : i1 to i32
    %sign3A_400 = arith.subi %sign3A_396, %sign3A_399 : i32
    %sign3A_401 = arith.constant 0 : i32
    %sign3A_402 = arith.cmpi sgt, %jit3A_392, %sign3A_401 : i32
    %sign3A_403 = arith.extui %sign3A_402 : i1 to i32
    %sign3A_404 = arith.constant 0 : i32
    %sign3A_405 = arith.cmpi slt, %jit3A_392, %sign3A_404 : i32
    %sign3A_406 = arith.extui %sign3A_405 : i1 to i32
    %sign3A_407 = arith.subi %sign3A_403, %sign3A_406 : i32
    %ne3A_408 = arith.cmpi ne, %sign3A_400, %sign3A_407 : i32
    %rem3A_409 = arith.remsi %get3A_391, %jit3A_392 : i32
    %ne3A_410 = arith.constant 0 : i32
    %ne3A_411 = arith.cmpi ne, %rem3A_409, %ne3A_410 : i32
    %and3A_412 = arith.andi %ne3A_408, %ne3A_411 : i1
    %sub3A_413 = arith.constant 1 : i32
    %sub3A_414 = arith.subi %div3A_393, %sub3A_413 : i32
    %select_n3A_415 = arith.select %and3A_412, %sub3A_414, %div3A_393 : i32
    %mul3A_416 = arith.constant 8 : i32
    %mul3A_417 = arith.muli %select_n3A_415, %mul3A_416 : i32
    %min3A_418 = arith.constant 4024 : i32
    %min3A_419 = arith.minsi %mul3A_417, %min3A_418 : i32
    %sub3A_420 = arith.subi %get3A_391, %min3A_419 : i32
    %get3A_421 = arith.index_cast %min3A_419 : i32 to index
    %get3A_422 = arith.constant 0 : index
    %get3A_423 = vector.load %arg4[%get3A_421, %get3A_422] : memref<4096x128xf32, #tpu.memory_space<vmem>>, vector<72x128xf32>
    %slice3A_424 = vector.extract_strided_slice %get3A_3 {offsets = [0, 1], sizes = [128, 1], strides = [1, 1]} : vector<128x2xf32> to vector<128x1xf32>
    %dot_general3A_425 = arith.constant dense<0.000000e+00> : vector<72x1xf32>
    %dot_general3A_426 = tpu.matmul %get3A_423, %slice3A_424, %dot_general3A_425 {dimension_numbers = #tpu.dot_dimension_numbers<[1], [0], [0], [1], [0, 0, 1, 1], [], []>, transpose_lhs_hint = false} : vector<72x128xf32>, vector<128x1xf32>, vector<72x1xf32> -> vector<72x1xf32>
    %get3A_427 = arith.constant 4 : index
    %get3A_428 = arith.constant 0 : index
    %get3A_429 = arith.constant 0 : index
    %get3A_430 = vector.load %arg2[%get3A_427, %get3A_428, %get3A_429] : memref<8x5x64xi32, #tpu.memory_space<vmem>>, vector<1x5x64xi32>
    %get3A_431 = vector.shape_cast %get3A_430 : vector<1x5x64xi32> to vector<5x64xi32>
    %add3A_432 = vector.broadcast %sub3A_420 : i32 to vector<5x64xi32>
    %add3A_433 = arith.addi %get3A_431, %add3A_432 : vector<5x64xi32>
    %get3A_434 = arith.constant 4 : index
    %get3A_435 = arith.constant 0 : index
    %get3A_436 = arith.constant 0 : index
    %get3A_437 = vector.load %arg3[%get3A_434, %get3A_435, %get3A_436] : memref<8x5x64xf32, #tpu.memory_space<vmem>>, vector<1x5x64xf32>
    %get3A_438 = vector.shape_cast %get3A_437 : vector<1x5x64xf32> to vector<5x64xf32>
    %broadcast_in_dim3A_439 = vector.shape_cast %add3A_433 : vector<5x64xi32> to vector<5x1x64xi32>
    %eq3A_440 = vector.broadcast %broadcast_in_dim3A_439 : vector<5x1x64xi32> to vector<5x72x64xi32>
    %eq3A_441 = vector.broadcast %iota3A : vector<1x72x1xi32> to vector<5x72x64xi32>
    %eq3A_442 = arith.cmpi eq, %eq3A_440, %eq3A_441 : vector<5x72x64xi32>
    %broadcast_in_dim3A_443 = vector.shape_cast %get3A_438 : vector<5x64xf32> to vector<5x1x64xf32>
    %jit3A_444 = arith.constant 0.000000e+00 : f32
    %broadcast_in_dim3A_445 = vector.shape_cast %broadcast_in_dim3A_443 : vector<5x1x64xf32> to vector<5x1x64xf32>
    %broadcast_in_dim3A_446 = vector.broadcast %broadcast_in_dim3A_445 : vector<5x1x64xf32> to vector<5x72x64xf32>
    %broadcast_in_dim3A_447 = vector.broadcast %jit3A_444 : f32 to vector<5x72x64xf32>
    %select_n3A_448 = arith.select %eq3A_442, %broadcast_in_dim3A_446, %broadcast_in_dim3A_447 : vector<5x72x64xi1>, vector<5x72x64xf32>
    %broadcast_in_dim3A_449 = vector.shape_cast %dot_general3A_426 : vector<72x1xf32> to vector<1x72x1xf32>
    %mul3A_450 = vector.broadcast %broadcast_in_dim3A_449 : vector<1x72x1xf32> to vector<5x72x64xf32>
    %mul3A_451 = arith.mulf %select_n3A_448, %mul3A_450 : vector<5x72x64xf32>
    %reduce_sum3A_452 = arith.constant dense<0.000000e+00> : vector<5x64xf32>
    %reduce_sum3A_453 = vector.multi_reduction <add>, %mul3A_451, %reduce_sum3A_452 [1] : vector<5x72x64xf32> to vector<5x64xf32>
    %slice3A_454 = vector.extract_strided_slice %dot_general3A_10 {offsets = [0, 256], sizes = [1, 64], strides = [1, 1]} : vector<2x512xf32> to vector<1x64xf32>
    %slice3A_455 = vector.extract_strided_slice %dot_general3A_10 {offsets = [1, 256], sizes = [1, 64], strides = [1, 1]} : vector<2x512xf32> to vector<1x64xf32>
    %add3A_456 = arith.addf %slice3A_454, %slice3A_455 : vector<1x64xf32>
    %add3A_457 = vector.broadcast %slice3A_454 : vector<1x64xf32> to vector<5x64xf32>
    %add3A_458 = arith.addf %add3A_457, %reduce_sum3A_453 : vector<5x64xf32>
    %concatenate3A_459 = tpu.concatenate %add3A_456, %add3A_458 in 0 : vector<1x64xf32>, vector<5x64xf32> -> vector<6x64xf32>
    %ge3A_460 = arith.constant 0.000000e+00 : f32
    %ge3A_461 = vector.broadcast %ge3A_460 : f32 to vector<6x64xf32>
    %ge3A_462 = arith.cmpf oge, %concatenate3A_459, %ge3A_461 : vector<6x64xf32>
    %mul3A_463 = arith.constant 2.000000e-01 : f32
    %mul3A_464 = vector.broadcast %mul3A_463 : f32 to vector<6x64xf32>
    %mul3A_465 = arith.mulf %mul3A_464, %concatenate3A_459 : vector<6x64xf32>
    %select_n3A_466 = arith.select %ge3A_462, %concatenate3A_459, %mul3A_465 : vector<6x64xi1>, vector<6x64xf32>
    %reduce_max3A_467 = arith.constant dense<0xFF800000> : vector<64xf32>
    %reduce_max3A_468 = vector.multi_reduction <maximumf>, %select_n3A_466, %reduce_max3A_467 [0] : vector<6x64xf32> to vector<64xf32>
    %broadcast_in_dim3A_469 = vector.shape_cast %reduce_max3A_468 : vector<64xf32> to vector<1x64xf32>
    %sub3A_470 = vector.broadcast %broadcast_in_dim3A_469 : vector<1x64xf32> to vector<6x64xf32>
    %sub3A_471 = arith.subf %select_n3A_466, %sub3A_470 : vector<6x64xf32>
    %exp3A_472 = math.exp %sub3A_471 : vector<6x64xf32>
    %reduce_sum3A_473 = arith.constant dense<0.000000e+00> : vector<64xf32>
    %reduce_sum3A_474 = vector.multi_reduction <add>, %exp3A_472, %reduce_sum3A_473 [0] : vector<6x64xf32> to vector<64xf32>
    %broadcast_in_dim3A_475 = vector.shape_cast %reduce_sum3A_474 : vector<64xf32> to vector<1x64xf32>
    %div3A_476 = vector.broadcast %broadcast_in_dim3A_475 : vector<1x64xf32> to vector<6x64xf32>
    %div3A_477 = arith.divf %exp3A_472, %div3A_476 : vector<6x64xf32>
    %slice3A_478 = vector.extract_strided_slice %div3A_477 {offsets = [0, 0], sizes = [1, 64], strides = [1, 1]} : vector<6x64xf32> to vector<1x64xf32>
    %slice3A_479 = vector.extract_strided_slice %div3A_477 {offsets = [1, 0], sizes = [5, 64], strides = [1, 1]} : vector<6x64xf32> to vector<5x64xf32>
    %mul3A_480 = arith.mulf %slice3A_479, %get3A_438 : vector<5x64xf32>
    %broadcast_in_dim3A_481 = arith.constant 0.000000e+00 : f32
    %broadcast_in_dim3A_482 = vector.broadcast %broadcast_in_dim3A_481 : f32 to vector<2x64xf32>
    %concatenate3A_483 = tpu.concatenate %slice3A_478, %mul3A_480, %broadcast_in_dim3A_482 in 0 : vector<1x64xf32>, vector<5x64xf32>, vector<2x64xf32> -> vector<8x64xf32>
    %mul3A_484 = arith.constant 8 : i32
    %mul3A_485 = arith.muli %arg0, %mul3A_484 : i32
    %add3A_486 = arith.constant 5 : i32
    %add3A_487 = arith.addi %mul3A_485, %add3A_486 : i32
    %get3A_488 = arith.index_cast %add3A_487 : i32 to index
    %get3A_489 = memref.load %arg1[%get3A_488] : memref<64xi32, #tpu.memory_space<smem>>
    %jit3A_490 = arith.constant 8 : i32
    %div3A_491 = arith.divsi %get3A_489, %jit3A_490 : i32
    %sign3A_492 = arith.constant 0 : i32
    %sign3A_493 = arith.cmpi sgt, %get3A_489, %sign3A_492 : i32
    %sign3A_494 = arith.extui %sign3A_493 : i1 to i32
    %sign3A_495 = arith.constant 0 : i32
    %sign3A_496 = arith.cmpi slt, %get3A_489, %sign3A_495 : i32
    %sign3A_497 = arith.extui %sign3A_496 : i1 to i32
    %sign3A_498 = arith.subi %sign3A_494, %sign3A_497 : i32
    %sign3A_499 = arith.constant 0 : i32
    %sign3A_500 = arith.cmpi sgt, %jit3A_490, %sign3A_499 : i32
    %sign3A_501 = arith.extui %sign3A_500 : i1 to i32
    %sign3A_502 = arith.constant 0 : i32
    %sign3A_503 = arith.cmpi slt, %jit3A_490, %sign3A_502 : i32
    %sign3A_504 = arith.extui %sign3A_503 : i1 to i32
    %sign3A_505 = arith.subi %sign3A_501, %sign3A_504 : i32
    %ne3A_506 = arith.cmpi ne, %sign3A_498, %sign3A_505 : i32
    %rem3A_507 = arith.remsi %get3A_489, %jit3A_490 : i32
    %ne3A_508 = arith.constant 0 : i32
    %ne3A_509 = arith.cmpi ne, %rem3A_507, %ne3A_508 : i32
    %and3A_510 = arith.andi %ne3A_506, %ne3A_509 : i1
    %sub3A_511 = arith.constant 1 : i32
    %sub3A_512 = arith.subi %div3A_491, %sub3A_511 : i32
    %select_n3A_513 = arith.select %and3A_510, %sub3A_512, %div3A_491 : i32
    %mul3A_514 = arith.constant 8 : i32
    %mul3A_515 = arith.muli %select_n3A_513, %mul3A_514 : i32
    %min3A_516 = arith.constant 4024 : i32
    %min3A_517 = arith.minsi %mul3A_515, %min3A_516 : i32
    %sub3A_518 = arith.subi %get3A_489, %min3A_517 : i32
    %get3A_519 = arith.index_cast %min3A_517 : i32 to index
    %get3A_520 = arith.constant 0 : index
    %get3A_521 = vector.load %arg4[%get3A_519, %get3A_520] : memref<4096x128xf32, #tpu.memory_space<vmem>>, vector<72x128xf32>
    %slice3A_522 = vector.extract_strided_slice %get3A_3 {offsets = [0, 1], sizes = [128, 1], strides = [1, 1]} : vector<128x2xf32> to vector<128x1xf32>
    %dot_general3A_523 = arith.constant dense<0.000000e+00> : vector<72x1xf32>
    %dot_general3A_524 = tpu.matmul %get3A_521, %slice3A_522, %dot_general3A_523 {dimension_numbers = #tpu.dot_dimension_numbers<[1], [0], [0], [1], [0, 0, 1, 1], [], []>, transpose_lhs_hint = false} : vector<72x128xf32>, vector<128x1xf32>, vector<72x1xf32> -> vector<72x1xf32>
    %get3A_525 = arith.constant 5 : index
    %get3A_526 = arith.constant 0 : index
    %get3A_527 = arith.constant 0 : index
    %get3A_528 = vector.load %arg2[%get3A_525, %get3A_526, %get3A_527] : memref<8x5x64xi32, #tpu.memory_space<vmem>>, vector<1x5x64xi32>
    %get3A_529 = vector.shape_cast %get3A_528 : vector<1x5x64xi32> to vector<5x64xi32>
    %add3A_530 = vector.broadcast %sub3A_518 : i32 to vector<5x64xi32>
    %add3A_531 = arith.addi %get3A_529, %add3A_530 : vector<5x64xi32>
    %get3A_532 = arith.constant 5 : index
    %get3A_533 = arith.constant 0 : index
    %get3A_534 = arith.constant 0 : index
    %get3A_535 = vector.load %arg3[%get3A_532, %get3A_533, %get3A_534] : memref<8x5x64xf32, #tpu.memory_space<vmem>>, vector<1x5x64xf32>
    %get3A_536 = vector.shape_cast %get3A_535 : vector<1x5x64xf32> to vector<5x64xf32>
    %broadcast_in_dim3A_537 = vector.shape_cast %add3A_531 : vector<5x64xi32> to vector<5x1x64xi32>
    %eq3A_538 = vector.broadcast %broadcast_in_dim3A_537 : vector<5x1x64xi32> to vector<5x72x64xi32>
    %eq3A_539 = vector.broadcast %iota3A : vector<1x72x1xi32> to vector<5x72x64xi32>
    %eq3A_540 = arith.cmpi eq, %eq3A_538, %eq3A_539 : vector<5x72x64xi32>
    %broadcast_in_dim3A_541 = vector.shape_cast %get3A_536 : vector<5x64xf32> to vector<5x1x64xf32>
    %jit3A_542 = arith.constant 0.000000e+00 : f32
    %broadcast_in_dim3A_543 = vector.shape_cast %broadcast_in_dim3A_541 : vector<5x1x64xf32> to vector<5x1x64xf32>
    %broadcast_in_dim3A_544 = vector.broadcast %broadcast_in_dim3A_543 : vector<5x1x64xf32> to vector<5x72x64xf32>
    %broadcast_in_dim3A_545 = vector.broadcast %jit3A_542 : f32 to vector<5x72x64xf32>
    %select_n3A_546 = arith.select %eq3A_540, %broadcast_in_dim3A_544, %broadcast_in_dim3A_545 : vector<5x72x64xi1>, vector<5x72x64xf32>
    %broadcast_in_dim3A_547 = vector.shape_cast %dot_general3A_524 : vector<72x1xf32> to vector<1x72x1xf32>
    %mul3A_548 = vector.broadcast %broadcast_in_dim3A_547 : vector<1x72x1xf32> to vector<5x72x64xf32>
    %mul3A_549 = arith.mulf %select_n3A_546, %mul3A_548 : vector<5x72x64xf32>
    %reduce_sum3A_550 = arith.constant dense<0.000000e+00> : vector<5x64xf32>
    %reduce_sum3A_551 = vector.multi_reduction <add>, %mul3A_549, %reduce_sum3A_550 [1] : vector<5x72x64xf32> to vector<5x64xf32>
    %slice3A_552 = vector.extract_strided_slice %dot_general3A_10 {offsets = [0, 320], sizes = [1, 64], strides = [1, 1]} : vector<2x512xf32> to vector<1x64xf32>
    %slice3A_553 = vector.extract_strided_slice %dot_general3A_10 {offsets = [1, 320], sizes = [1, 64], strides = [1, 1]} : vector<2x512xf32> to vector<1x64xf32>
    %add3A_554 = arith.addf %slice3A_552, %slice3A_553 : vector<1x64xf32>
    %add3A_555 = vector.broadcast %slice3A_552 : vector<1x64xf32> to vector<5x64xf32>
    %add3A_556 = arith.addf %add3A_555, %reduce_sum3A_551 : vector<5x64xf32>
    %concatenate3A_557 = tpu.concatenate %add3A_554, %add3A_556 in 0 : vector<1x64xf32>, vector<5x64xf32> -> vector<6x64xf32>
    %ge3A_558 = arith.constant 0.000000e+00 : f32
    %ge3A_559 = vector.broadcast %ge3A_558 : f32 to vector<6x64xf32>
    %ge3A_560 = arith.cmpf oge, %concatenate3A_557, %ge3A_559 : vector<6x64xf32>
    %mul3A_561 = arith.constant 2.000000e-01 : f32
    %mul3A_562 = vector.broadcast %mul3A_561 : f32 to vector<6x64xf32>
    %mul3A_563 = arith.mulf %mul3A_562, %concatenate3A_557 : vector<6x64xf32>
    %select_n3A_564 = arith.select %ge3A_560, %concatenate3A_557, %mul3A_563 : vector<6x64xi1>, vector<6x64xf32>
    %reduce_max3A_565 = arith.constant dense<0xFF800000> : vector<64xf32>
    %reduce_max3A_566 = vector.multi_reduction <maximumf>, %select_n3A_564, %reduce_max3A_565 [0] : vector<6x64xf32> to vector<64xf32>
    %broadcast_in_dim3A_567 = vector.shape_cast %reduce_max3A_566 : vector<64xf32> to vector<1x64xf32>
    %sub3A_568 = vector.broadcast %broadcast_in_dim3A_567 : vector<1x64xf32> to vector<6x64xf32>
    %sub3A_569 = arith.subf %select_n3A_564, %sub3A_568 : vector<6x64xf32>
    %exp3A_570 = math.exp %sub3A_569 : vector<6x64xf32>
    %reduce_sum3A_571 = arith.constant dense<0.000000e+00> : vector<64xf32>
    %reduce_sum3A_572 = vector.multi_reduction <add>, %exp3A_570, %reduce_sum3A_571 [0] : vector<6x64xf32> to vector<64xf32>
    %broadcast_in_dim3A_573 = vector.shape_cast %reduce_sum3A_572 : vector<64xf32> to vector<1x64xf32>
    %div3A_574 = vector.broadcast %broadcast_in_dim3A_573 : vector<1x64xf32> to vector<6x64xf32>
    %div3A_575 = arith.divf %exp3A_570, %div3A_574 : vector<6x64xf32>
    %slice3A_576 = vector.extract_strided_slice %div3A_575 {offsets = [0, 0], sizes = [1, 64], strides = [1, 1]} : vector<6x64xf32> to vector<1x64xf32>
    %slice3A_577 = vector.extract_strided_slice %div3A_575 {offsets = [1, 0], sizes = [5, 64], strides = [1, 1]} : vector<6x64xf32> to vector<5x64xf32>
    %mul3A_578 = arith.mulf %slice3A_577, %get3A_536 : vector<5x64xf32>
    %broadcast_in_dim3A_579 = arith.constant 0.000000e+00 : f32
    %broadcast_in_dim3A_580 = vector.broadcast %broadcast_in_dim3A_579 : f32 to vector<2x64xf32>
    %concatenate3A_581 = tpu.concatenate %slice3A_576, %mul3A_578, %broadcast_in_dim3A_580 in 0 : vector<1x64xf32>, vector<5x64xf32>, vector<2x64xf32> -> vector<8x64xf32>
    %mul3A_582 = arith.constant 8 : i32
    %mul3A_583 = arith.muli %arg0, %mul3A_582 : i32
    %add3A_584 = arith.constant 6 : i32
    %add3A_585 = arith.addi %mul3A_583, %add3A_584 : i32
    %get3A_586 = arith.index_cast %add3A_585 : i32 to index
    %get3A_587 = memref.load %arg1[%get3A_586] : memref<64xi32, #tpu.memory_space<smem>>
    %jit3A_588 = arith.constant 8 : i32
    %div3A_589 = arith.divsi %get3A_587, %jit3A_588 : i32
    %sign3A_590 = arith.constant 0 : i32
    %sign3A_591 = arith.cmpi sgt, %get3A_587, %sign3A_590 : i32
    %sign3A_592 = arith.extui %sign3A_591 : i1 to i32
    %sign3A_593 = arith.constant 0 : i32
    %sign3A_594 = arith.cmpi slt, %get3A_587, %sign3A_593 : i32
    %sign3A_595 = arith.extui %sign3A_594 : i1 to i32
    %sign3A_596 = arith.subi %sign3A_592, %sign3A_595 : i32
    %sign3A_597 = arith.constant 0 : i32
    %sign3A_598 = arith.cmpi sgt, %jit3A_588, %sign3A_597 : i32
    %sign3A_599 = arith.extui %sign3A_598 : i1 to i32
    %sign3A_600 = arith.constant 0 : i32
    %sign3A_601 = arith.cmpi slt, %jit3A_588, %sign3A_600 : i32
    %sign3A_602 = arith.extui %sign3A_601 : i1 to i32
    %sign3A_603 = arith.subi %sign3A_599, %sign3A_602 : i32
    %ne3A_604 = arith.cmpi ne, %sign3A_596, %sign3A_603 : i32
    %rem3A_605 = arith.remsi %get3A_587, %jit3A_588 : i32
    %ne3A_606 = arith.constant 0 : i32
    %ne3A_607 = arith.cmpi ne, %rem3A_605, %ne3A_606 : i32
    %and3A_608 = arith.andi %ne3A_604, %ne3A_607 : i1
    %sub3A_609 = arith.constant 1 : i32
    %sub3A_610 = arith.subi %div3A_589, %sub3A_609 : i32
    %select_n3A_611 = arith.select %and3A_608, %sub3A_610, %div3A_589 : i32
    %mul3A_612 = arith.constant 8 : i32
    %mul3A_613 = arith.muli %select_n3A_611, %mul3A_612 : i32
    %min3A_614 = arith.constant 4024 : i32
    %min3A_615 = arith.minsi %mul3A_613, %min3A_614 : i32
    %sub3A_616 = arith.subi %get3A_587, %min3A_615 : i32
    %get3A_617 = arith.index_cast %min3A_615 : i32 to index
    %get3A_618 = arith.constant 0 : index
    %get3A_619 = vector.load %arg4[%get3A_617, %get3A_618] : memref<4096x128xf32, #tpu.memory_space<vmem>>, vector<72x128xf32>
    %slice3A_620 = vector.extract_strided_slice %get3A_3 {offsets = [0, 1], sizes = [128, 1], strides = [1, 1]} : vector<128x2xf32> to vector<128x1xf32>
    %dot_general3A_621 = arith.constant dense<0.000000e+00> : vector<72x1xf32>
    %dot_general3A_622 = tpu.matmul %get3A_619, %slice3A_620, %dot_general3A_621 {dimension_numbers = #tpu.dot_dimension_numbers<[1], [0], [0], [1], [0, 0, 1, 1], [], []>, transpose_lhs_hint = false} : vector<72x128xf32>, vector<128x1xf32>, vector<72x1xf32> -> vector<72x1xf32>
    %get3A_623 = arith.constant 6 : index
    %get3A_624 = arith.constant 0 : index
    %get3A_625 = arith.constant 0 : index
    %get3A_626 = vector.load %arg2[%get3A_623, %get3A_624, %get3A_625] : memref<8x5x64xi32, #tpu.memory_space<vmem>>, vector<1x5x64xi32>
    %get3A_627 = vector.shape_cast %get3A_626 : vector<1x5x64xi32> to vector<5x64xi32>
    %add3A_628 = vector.broadcast %sub3A_616 : i32 to vector<5x64xi32>
    %add3A_629 = arith.addi %get3A_627, %add3A_628 : vector<5x64xi32>
    %get3A_630 = arith.constant 6 : index
    %get3A_631 = arith.constant 0 : index
    %get3A_632 = arith.constant 0 : index
    %get3A_633 = vector.load %arg3[%get3A_630, %get3A_631, %get3A_632] : memref<8x5x64xf32, #tpu.memory_space<vmem>>, vector<1x5x64xf32>
    %get3A_634 = vector.shape_cast %get3A_633 : vector<1x5x64xf32> to vector<5x64xf32>
    %broadcast_in_dim3A_635 = vector.shape_cast %add3A_629 : vector<5x64xi32> to vector<5x1x64xi32>
    %eq3A_636 = vector.broadcast %broadcast_in_dim3A_635 : vector<5x1x64xi32> to vector<5x72x64xi32>
    %eq3A_637 = vector.broadcast %iota3A : vector<1x72x1xi32> to vector<5x72x64xi32>
    %eq3A_638 = arith.cmpi eq, %eq3A_636, %eq3A_637 : vector<5x72x64xi32>
    %broadcast_in_dim3A_639 = vector.shape_cast %get3A_634 : vector<5x64xf32> to vector<5x1x64xf32>
    %jit3A_640 = arith.constant 0.000000e+00 : f32
    %broadcast_in_dim3A_641 = vector.shape_cast %broadcast_in_dim3A_639 : vector<5x1x64xf32> to vector<5x1x64xf32>
    %broadcast_in_dim3A_642 = vector.broadcast %broadcast_in_dim3A_641 : vector<5x1x64xf32> to vector<5x72x64xf32>
    %broadcast_in_dim3A_643 = vector.broadcast %jit3A_640 : f32 to vector<5x72x64xf32>
    %select_n3A_644 = arith.select %eq3A_638, %broadcast_in_dim3A_642, %broadcast_in_dim3A_643 : vector<5x72x64xi1>, vector<5x72x64xf32>
    %broadcast_in_dim3A_645 = vector.shape_cast %dot_general3A_622 : vector<72x1xf32> to vector<1x72x1xf32>
    %mul3A_646 = vector.broadcast %broadcast_in_dim3A_645 : vector<1x72x1xf32> to vector<5x72x64xf32>
    %mul3A_647 = arith.mulf %select_n3A_644, %mul3A_646 : vector<5x72x64xf32>
    %reduce_sum3A_648 = arith.constant dense<0.000000e+00> : vector<5x64xf32>
    %reduce_sum3A_649 = vector.multi_reduction <add>, %mul3A_647, %reduce_sum3A_648 [1] : vector<5x72x64xf32> to vector<5x64xf32>
    %slice3A_650 = vector.extract_strided_slice %dot_general3A_10 {offsets = [0, 384], sizes = [1, 64], strides = [1, 1]} : vector<2x512xf32> to vector<1x64xf32>
    %slice3A_651 = vector.extract_strided_slice %dot_general3A_10 {offsets = [1, 384], sizes = [1, 64], strides = [1, 1]} : vector<2x512xf32> to vector<1x64xf32>
    %add3A_652 = arith.addf %slice3A_650, %slice3A_651 : vector<1x64xf32>
    %add3A_653 = vector.broadcast %slice3A_650 : vector<1x64xf32> to vector<5x64xf32>
    %add3A_654 = arith.addf %add3A_653, %reduce_sum3A_649 : vector<5x64xf32>
    %concatenate3A_655 = tpu.concatenate %add3A_652, %add3A_654 in 0 : vector<1x64xf32>, vector<5x64xf32> -> vector<6x64xf32>
    %ge3A_656 = arith.constant 0.000000e+00 : f32
    %ge3A_657 = vector.broadcast %ge3A_656 : f32 to vector<6x64xf32>
    %ge3A_658 = arith.cmpf oge, %concatenate3A_655, %ge3A_657 : vector<6x64xf32>
    %mul3A_659 = arith.constant 2.000000e-01 : f32
    %mul3A_660 = vector.broadcast %mul3A_659 : f32 to vector<6x64xf32>
    %mul3A_661 = arith.mulf %mul3A_660, %concatenate3A_655 : vector<6x64xf32>
    %select_n3A_662 = arith.select %ge3A_658, %concatenate3A_655, %mul3A_661 : vector<6x64xi1>, vector<6x64xf32>
    %reduce_max3A_663 = arith.constant dense<0xFF800000> : vector<64xf32>
    %reduce_max3A_664 = vector.multi_reduction <maximumf>, %select_n3A_662, %reduce_max3A_663 [0] : vector<6x64xf32> to vector<64xf32>
    %broadcast_in_dim3A_665 = vector.shape_cast %reduce_max3A_664 : vector<64xf32> to vector<1x64xf32>
    %sub3A_666 = vector.broadcast %broadcast_in_dim3A_665 : vector<1x64xf32> to vector<6x64xf32>
    %sub3A_667 = arith.subf %select_n3A_662, %sub3A_666 : vector<6x64xf32>
    %exp3A_668 = math.exp %sub3A_667 : vector<6x64xf32>
    %reduce_sum3A_669 = arith.constant dense<0.000000e+00> : vector<64xf32>
    %reduce_sum3A_670 = vector.multi_reduction <add>, %exp3A_668, %reduce_sum3A_669 [0] : vector<6x64xf32> to vector<64xf32>
    %broadcast_in_dim3A_671 = vector.shape_cast %reduce_sum3A_670 : vector<64xf32> to vector<1x64xf32>
    %div3A_672 = vector.broadcast %broadcast_in_dim3A_671 : vector<1x64xf32> to vector<6x64xf32>
    %div3A_673 = arith.divf %exp3A_668, %div3A_672 : vector<6x64xf32>
    %slice3A_674 = vector.extract_strided_slice %div3A_673 {offsets = [0, 0], sizes = [1, 64], strides = [1, 1]} : vector<6x64xf32> to vector<1x64xf32>
    %slice3A_675 = vector.extract_strided_slice %div3A_673 {offsets = [1, 0], sizes = [5, 64], strides = [1, 1]} : vector<6x64xf32> to vector<5x64xf32>
    %mul3A_676 = arith.mulf %slice3A_675, %get3A_634 : vector<5x64xf32>
    %broadcast_in_dim3A_677 = arith.constant 0.000000e+00 : f32
    %broadcast_in_dim3A_678 = vector.broadcast %broadcast_in_dim3A_677 : f32 to vector<2x64xf32>
    %concatenate3A_679 = tpu.concatenate %slice3A_674, %mul3A_676, %broadcast_in_dim3A_678 in 0 : vector<1x64xf32>, vector<5x64xf32>, vector<2x64xf32> -> vector<8x64xf32>
    %mul3A_680 = arith.constant 8 : i32
    %mul3A_681 = arith.muli %arg0, %mul3A_680 : i32
    %add3A_682 = arith.constant 7 : i32
    %add3A_683 = arith.addi %mul3A_681, %add3A_682 : i32
    %get3A_684 = arith.index_cast %add3A_683 : i32 to index
    %get3A_685 = memref.load %arg1[%get3A_684] : memref<64xi32, #tpu.memory_space<smem>>
    %jit3A_686 = arith.constant 8 : i32
    %div3A_687 = arith.divsi %get3A_685, %jit3A_686 : i32
    %sign3A_688 = arith.constant 0 : i32
    %sign3A_689 = arith.cmpi sgt, %get3A_685, %sign3A_688 : i32
    %sign3A_690 = arith.extui %sign3A_689 : i1 to i32
    %sign3A_691 = arith.constant 0 : i32
    %sign3A_692 = arith.cmpi slt, %get3A_685, %sign3A_691 : i32
    %sign3A_693 = arith.extui %sign3A_692 : i1 to i32
    %sign3A_694 = arith.subi %sign3A_690, %sign3A_693 : i32
    %sign3A_695 = arith.constant 0 : i32
    %sign3A_696 = arith.cmpi sgt, %jit3A_686, %sign3A_695 : i32
    %sign3A_697 = arith.extui %sign3A_696 : i1 to i32
    %sign3A_698 = arith.constant 0 : i32
    %sign3A_699 = arith.cmpi slt, %jit3A_686, %sign3A_698 : i32
    %sign3A_700 = arith.extui %sign3A_699 : i1 to i32
    %sign3A_701 = arith.subi %sign3A_697, %sign3A_700 : i32
    %ne3A_702 = arith.cmpi ne, %sign3A_694, %sign3A_701 : i32
    %rem3A_703 = arith.remsi %get3A_685, %jit3A_686 : i32
    %ne3A_704 = arith.constant 0 : i32
    %ne3A_705 = arith.cmpi ne, %rem3A_703, %ne3A_704 : i32
    %and3A_706 = arith.andi %ne3A_702, %ne3A_705 : i1
    %sub3A_707 = arith.constant 1 : i32
    %sub3A_708 = arith.subi %div3A_687, %sub3A_707 : i32
    %select_n3A_709 = arith.select %and3A_706, %sub3A_708, %div3A_687 : i32
    %mul3A_710 = arith.constant 8 : i32
    %mul3A_711 = arith.muli %select_n3A_709, %mul3A_710 : i32
    %min3A_712 = arith.constant 4024 : i32
    %min3A_713 = arith.minsi %mul3A_711, %min3A_712 : i32
    %sub3A_714 = arith.subi %get3A_685, %min3A_713 : i32
    %get3A_715 = arith.index_cast %min3A_713 : i32 to index
    %get3A_716 = arith.constant 0 : index
    %get3A_717 = vector.load %arg4[%get3A_715, %get3A_716] : memref<4096x128xf32, #tpu.memory_space<vmem>>, vector<72x128xf32>
    %slice3A_718 = vector.extract_strided_slice %get3A_3 {offsets = [0, 1], sizes = [128, 1], strides = [1, 1]} : vector<128x2xf32> to vector<128x1xf32>
    %dot_general3A_719 = arith.constant dense<0.000000e+00> : vector<72x1xf32>
    %dot_general3A_720 = tpu.matmul %get3A_717, %slice3A_718, %dot_general3A_719 {dimension_numbers = #tpu.dot_dimension_numbers<[1], [0], [0], [1], [0, 0, 1, 1], [], []>, transpose_lhs_hint = false} : vector<72x128xf32>, vector<128x1xf32>, vector<72x1xf32> -> vector<72x1xf32>
    %get3A_721 = arith.constant 7 : index
    %get3A_722 = arith.constant 0 : index
    %get3A_723 = arith.constant 0 : index
    %get3A_724 = vector.load %arg2[%get3A_721, %get3A_722, %get3A_723] : memref<8x5x64xi32, #tpu.memory_space<vmem>>, vector<1x5x64xi32>
    %get3A_725 = vector.shape_cast %get3A_724 : vector<1x5x64xi32> to vector<5x64xi32>
    %add3A_726 = vector.broadcast %sub3A_714 : i32 to vector<5x64xi32>
    %add3A_727 = arith.addi %get3A_725, %add3A_726 : vector<5x64xi32>
    %get3A_728 = arith.constant 7 : index
    %get3A_729 = arith.constant 0 : index
    %get3A_730 = arith.constant 0 : index
    %get3A_731 = vector.load %arg3[%get3A_728, %get3A_729, %get3A_730] : memref<8x5x64xf32, #tpu.memory_space<vmem>>, vector<1x5x64xf32>
    %get3A_732 = vector.shape_cast %get3A_731 : vector<1x5x64xf32> to vector<5x64xf32>
    %broadcast_in_dim3A_733 = vector.shape_cast %add3A_727 : vector<5x64xi32> to vector<5x1x64xi32>
    %eq3A_734 = vector.broadcast %broadcast_in_dim3A_733 : vector<5x1x64xi32> to vector<5x72x64xi32>
    %eq3A_735 = vector.broadcast %iota3A : vector<1x72x1xi32> to vector<5x72x64xi32>
    %eq3A_736 = arith.cmpi eq, %eq3A_734, %eq3A_735 : vector<5x72x64xi32>
    %broadcast_in_dim3A_737 = vector.shape_cast %get3A_732 : vector<5x64xf32> to vector<5x1x64xf32>
    %jit3A_738 = arith.constant 0.000000e+00 : f32
    %broadcast_in_dim3A_739 = vector.shape_cast %broadcast_in_dim3A_737 : vector<5x1x64xf32> to vector<5x1x64xf32>
    %broadcast_in_dim3A_740 = vector.broadcast %broadcast_in_dim3A_739 : vector<5x1x64xf32> to vector<5x72x64xf32>
    %broadcast_in_dim3A_741 = vector.broadcast %jit3A_738 : f32 to vector<5x72x64xf32>
    %select_n3A_742 = arith.select %eq3A_736, %broadcast_in_dim3A_740, %broadcast_in_dim3A_741 : vector<5x72x64xi1>, vector<5x72x64xf32>
    %broadcast_in_dim3A_743 = vector.shape_cast %dot_general3A_720 : vector<72x1xf32> to vector<1x72x1xf32>
    %mul3A_744 = vector.broadcast %broadcast_in_dim3A_743 : vector<1x72x1xf32> to vector<5x72x64xf32>
    %mul3A_745 = arith.mulf %select_n3A_742, %mul3A_744 : vector<5x72x64xf32>
    %reduce_sum3A_746 = arith.constant dense<0.000000e+00> : vector<5x64xf32>
    %reduce_sum3A_747 = vector.multi_reduction <add>, %mul3A_745, %reduce_sum3A_746 [1] : vector<5x72x64xf32> to vector<5x64xf32>
    %slice3A_748 = vector.extract_strided_slice %dot_general3A_10 {offsets = [0, 448], sizes = [1, 64], strides = [1, 1]} : vector<2x512xf32> to vector<1x64xf32>
    %slice3A_749 = vector.extract_strided_slice %dot_general3A_10 {offsets = [1, 448], sizes = [1, 64], strides = [1, 1]} : vector<2x512xf32> to vector<1x64xf32>
    %add3A_750 = arith.addf %slice3A_748, %slice3A_749 : vector<1x64xf32>
    %add3A_751 = vector.broadcast %slice3A_748 : vector<1x64xf32> to vector<5x64xf32>
    %add3A_752 = arith.addf %add3A_751, %reduce_sum3A_747 : vector<5x64xf32>
    %concatenate3A_753 = tpu.concatenate %add3A_750, %add3A_752 in 0 : vector<1x64xf32>, vector<5x64xf32> -> vector<6x64xf32>
    %ge3A_754 = arith.constant 0.000000e+00 : f32
    %ge3A_755 = vector.broadcast %ge3A_754 : f32 to vector<6x64xf32>
    %ge3A_756 = arith.cmpf oge, %concatenate3A_753, %ge3A_755 : vector<6x64xf32>
    %mul3A_757 = arith.constant 2.000000e-01 : f32
    %mul3A_758 = vector.broadcast %mul3A_757 : f32 to vector<6x64xf32>
    %mul3A_759 = arith.mulf %mul3A_758, %concatenate3A_753 : vector<6x64xf32>
    %select_n3A_760 = arith.select %ge3A_756, %concatenate3A_753, %mul3A_759 : vector<6x64xi1>, vector<6x64xf32>
    %reduce_max3A_761 = arith.constant dense<0xFF800000> : vector<64xf32>
    %reduce_max3A_762 = vector.multi_reduction <maximumf>, %select_n3A_760, %reduce_max3A_761 [0] : vector<6x64xf32> to vector<64xf32>
    %broadcast_in_dim3A_763 = vector.shape_cast %reduce_max3A_762 : vector<64xf32> to vector<1x64xf32>
    %sub3A_764 = vector.broadcast %broadcast_in_dim3A_763 : vector<1x64xf32> to vector<6x64xf32>
    %sub3A_765 = arith.subf %select_n3A_760, %sub3A_764 : vector<6x64xf32>
    %exp3A_766 = math.exp %sub3A_765 : vector<6x64xf32>
    %reduce_sum3A_767 = arith.constant dense<0.000000e+00> : vector<64xf32>
    %reduce_sum3A_768 = vector.multi_reduction <add>, %exp3A_766, %reduce_sum3A_767 [0] : vector<6x64xf32> to vector<64xf32>
    %broadcast_in_dim3A_769 = vector.shape_cast %reduce_sum3A_768 : vector<64xf32> to vector<1x64xf32>
    %div3A_770 = vector.broadcast %broadcast_in_dim3A_769 : vector<1x64xf32> to vector<6x64xf32>
    %div3A_771 = arith.divf %exp3A_766, %div3A_770 : vector<6x64xf32>
    %slice3A_772 = vector.extract_strided_slice %div3A_771 {offsets = [0, 0], sizes = [1, 64], strides = [1, 1]} : vector<6x64xf32> to vector<1x64xf32>
    %slice3A_773 = vector.extract_strided_slice %div3A_771 {offsets = [1, 0], sizes = [5, 64], strides = [1, 1]} : vector<6x64xf32> to vector<5x64xf32>
    %mul3A_774 = arith.mulf %slice3A_773, %get3A_732 : vector<5x64xf32>
    %broadcast_in_dim3A_775 = arith.constant 0.000000e+00 : f32
    %broadcast_in_dim3A_776 = vector.broadcast %broadcast_in_dim3A_775 : f32 to vector<2x64xf32>
    %concatenate3A_777 = tpu.concatenate %slice3A_772, %mul3A_774, %broadcast_in_dim3A_776 in 0 : vector<1x64xf32>, vector<5x64xf32>, vector<2x64xf32> -> vector<8x64xf32>
    %concatenate3A_778 = tpu.concatenate %concatenate3A_91, %concatenate3A_189, %concatenate3A_287, %concatenate3A_385, %concatenate3A_483, %concatenate3A_581, %concatenate3A_679, %concatenate3A_777 in 1 : vector<8x64xf32>, vector<8x64xf32>, vector<8x64xf32>, vector<8x64xf32>, vector<8x64xf32>, vector<8x64xf32>, vector<8x64xf32>, vector<8x64xf32> -> vector<8x512xf32>
    %swap3A = arith.constant 0 : index
    %swap3A_779 = arith.constant 0 : index
    %swap3A_780 = vector.load %arg7[%swap3A, %swap3A_779] : memref<8x512xf32, #tpu.memory_space<vmem>>, vector<8x512xf32>
    tpu.vector_store %arg7[%swap3A, %swap3A_779], %concatenate3A_778 {strides = array<i32>} : memref<8x512xf32, #tpu.memory_space<vmem>>, vector<8x512xf32>,
    return
  }
  func.func @transform_0(%arg0: i32, %arg1: memref<64xi32, #tpu.memory_space<smem>>) -> (i32, i32, i32) {
    %c0_i32 = arith.constant 0 : i32
    %c0_i32_0 = arith.constant 0 : i32
    %c0_i32_1 = arith.constant 0 : i32
    return %arg0, %c0_i32, %c0_i32_0 : i32, i32, i32
  }
  func.func @transform_1(%arg0: i32, %arg1: memref<64xi32, #tpu.memory_space<smem>>) -> (i32, i32, i32) {
    %c0_i32 = arith.constant 0 : i32
    %c0_i32_0 = arith.constant 0 : i32
    %c0_i32_1 = arith.constant 0 : i32
    return %arg0, %c0_i32, %c0_i32_0 : i32, i32, i32
  }
  func.func @transform_2(%arg0: i32, %arg1: memref<64xi32, #tpu.memory_space<smem>>) -> (i32, i32) {
    %c0_i32 = arith.constant 0 : i32
    %c0_i32_0 = arith.constant 0 : i32
    %c0_i32_1 = arith.constant 0 : i32
    return %c0_i32, %c0_i32_0 : i32, i32
  }
  func.func @transform_3(%arg0: i32, %arg1: memref<64xi32, #tpu.memory_space<smem>>) -> (i32, i32) {
    %c0_i32 = arith.constant 0 : i32
    %c0_i32_0 = arith.constant 0 : i32
    %c0_i32_1 = arith.constant 0 : i32
    return %c0_i32, %c0_i32_0 : i32, i32
  }
  func.func @transform_4(%arg0: i32, %arg1: memref<64xi32, #tpu.memory_space<smem>>) -> (i32, i32) {
    %c0_i32 = arith.constant 0 : i32
    %c0_i32_0 = arith.constant 0 : i32
    %c0_i32_1 = arith.constant 0 : i32
    return %c0_i32, %c0_i32_0 : i32, i32
  }
  func.func @transform_5(%arg0: i32, %arg1: memref<64xi32, #tpu.memory_space<smem>>) -> (i32, i32) {
    %c0_i32 = arith.constant 0 : i32
    %c0_i32_0 = arith.constant 0 : i32
    return %c0_i32, %arg0 : i32, i32
  }
}

module attributes {stable_mosaic.version = 14 : i64} {
  func.func @_mm_kernel(%arg0: i32, %arg1: memref<512x128xf32, #tpu.memory_space<vmem>>, %arg2: memref<128x2048xf32, #tpu.memory_space<vmem>>, %arg3: memref<512x2048xf32, #tpu.memory_space<vmem>>) attributes {dimension_semantics = [#tpu.dimension_semantics<arbitrary>], iteration_bounds = array<i64: 8>, scalar_prefetch = 0 : i64, scratch_operands = 0 : i64, tpu.core_type = #tpu.core_type<tc>, window_params = [{transform_indices = @transform_0, window_bounds = array<i64: 512, 128>}, {pipeline_mode = #tpu.pipeline_mode<synchronous>, transform_indices = @transform_1, window_bounds = array<i64: 128, 2048>}, {transform_indices = @transform_2, window_bounds = array<i64: 512, 2048>}]} {
    %get3A = arith.constant 0 : index
    %get3A_0 = arith.constant 0 : index
    %get3A_1 = vector.load %arg1[%get3A, %get3A_0] : memref<512x128xf32, #tpu.memory_space<vmem>>, vector<512x128xf32>
    %get3A_2 = arith.constant 0 : index
    %get3A_3 = arith.constant 0 : index
    %get3A_4 = vector.load %arg2[%get3A_2, %get3A_3] : memref<128x2048xf32, #tpu.memory_space<vmem>>, vector<128x2048xf32>
    %dot_general3A = arith.constant dense<0.000000e+00> : vector<512x2048xf32>
    %dot_general3A_5 = tpu.matmul %get3A_1, %get3A_4, %dot_general3A {dimension_numbers = #tpu.dot_dimension_numbers<[1], [0], [0], [1], [0, 0, 1, 1], [], []>, transpose_lhs_hint = false} : vector<512x128xf32>, vector<128x2048xf32>, vector<512x2048xf32> -> vector<512x2048xf32>
    %ge3A = arith.constant 0.000000e+00 : f32
    %ge3A_6 = vector.broadcast %ge3A : f32 to vector<512x2048xf32>
    %ge3A_7 = arith.cmpf oge, %dot_general3A_5, %ge3A_6 : vector<512x2048xf32>
    %min3A = arith.constant 0.000000e+00 : f32
    %min3A_8 = vector.broadcast %min3A : f32 to vector<512x2048xf32>
    %min3A_9 = arith.minimumf %dot_general3A_5, %min3A_8 : vector<512x2048xf32>
    %exp3A = math.exp %min3A_9 : vector<512x2048xf32>
    %sub3A = arith.constant 1.000000e+00 : f32
    %sub3A_10 = vector.broadcast %sub3A : f32 to vector<512x2048xf32>
    %sub3A_11 = arith.subf %exp3A, %sub3A_10 : vector<512x2048xf32>
    %select_n3A = arith.select %ge3A_7, %dot_general3A_5, %sub3A_11 : vector<512x2048xi1>, vector<512x2048xf32>
    %swap3A = arith.constant 0 : index
    %swap3A_12 = arith.constant 0 : index
    %swap3A_13 = vector.load %arg3[%swap3A, %swap3A_12] : memref<512x2048xf32, #tpu.memory_space<vmem>>, vector<512x2048xf32>
    tpu.vector_store %arg3[%swap3A, %swap3A_12], %select_n3A {strides = array<i32>} : memref<512x2048xf32, #tpu.memory_space<vmem>>, vector<512x2048xf32>,
    return
  }
  func.func @transform_0(%arg0: i32) -> (i32, i32) {
    %c0_i32 = arith.constant 0 : i32
    %c0_i32_0 = arith.constant 0 : i32
    return %arg0, %c0_i32 : i32, i32
  }
  func.func @transform_1(%arg0: i32) -> (i32, i32) {
    %c0_i32 = arith.constant 0 : i32
    %c0_i32_0 = arith.constant 0 : i32
    %c0_i32_1 = arith.constant 0 : i32
    return %c0_i32, %c0_i32_0 : i32, i32
  }
  func.func @transform_2(%arg0: i32) -> (i32, i32) {
    %c0_i32 = arith.constant 0 : i32
    %c0_i32_0 = arith.constant 0 : i32
    return %arg0, %c0_i32 : i32, i32
  }
}

</mosaic_0001>

<sc_bundles>
// kernel: _run.5.cloned.1.call-start
scs
__scs_entry_jumppad:
0x0: {  	(pc) =	sbr.rel $0x88, $3  }
0x1: {  	(tag) =	ssettag $0x0;
	lr =	simm.s32 $0x1  }
0x2: {  	[smem:$0x3F9A] =	sst lr;
	_ =	strace $0xD0000000  }
0x3: {  	_ = 	snop  }
0x4: {  	_ = 	snop  }
0x5: {  	_ = 	snop  }
0x6: {  	_ = 	snop  }
0x7: {  	_ = 	snop  }
__scs_overlays_trampoline_lowered:
0x8: {  	[smem:$0x3FA9] =	sst s0  }
0x9: {  	[smem:$0x3FAA] =	sst s1  }
0xa: {  	[smem:$0x3FAB] =	sst s2  }
0xb: {  	[smem:$0x3FAC] =	sst s3  }
0xc: {  	[smem:$0x3FAD] =	sst s4  }
0xd: {  	[smem:$0x3FAE] =	sst s5  }
0xe: {  	[smem:$0x3FAF] =	sst s6  }
0xf: {  	[smem:$0x3FB0] =	sst s7  }
0x10: {  	[smem:$0x3FB1] =	sst s8  }
0x11: {  	[smem:$0x3FB2] =	sst s9;
	s0 =	simm.s32 @!p0 $0x0  }
0x12: {  	s1 =	sld [smem:$0x3F98];
	s0 =	simm.s32 @p0 $0x1  }
0x13: {  	[smem:$0x3FB3] =	sst s0;
	s0 =	simm.s32 @!p1 $0x0  }
0x14: {  	s2 =	sld [smem:$0x3F97];
	s0 =	simm.s32 @p1 $0x1  }
0x15: {  	[smem:$0x3FB4] =	sst s0;
	s0 =	simm.s32 @!p2 $0x0  }
0x16: {  	s3 =	sld [smem:$0x3FDB];
	s0 =	simm.s32 @p2 $0x1  }
0x17: {  	s4 =	simm.s32 $0x1BF5;
	[smem:$0x3FB6] =	sst s0  }
0x18: {  	s0 =	sld [smem:$0x3F99];
	_ =	swait.ge [sflag:s4], $0x0  }
0x19: {  	s7 =	sld [smem:$0x3F9A]  }
0x1a: {  	s8 =	sadd.s32 $0xFFFFE003, lr  }
0x1b: {  	s9 =	sadd.s32 $0xFFFFFEF7, lr;
	s5 =	simm.s32 $0xFFFFFFFF;
	p2 =	slt.u32 s8, $0xFFFFF086  }
0x1c: {  	p1 =	slt.u32 s9, $0xF7A;
	s5 =	simm.s32 @!p2 $0x0  }
0x1d: {  	s5 =	simm.s32 @p1 $0x1;
	p0 =	seq.s32 s7, s2  }
0x1e: {  	s7 =	smul.u32 @!p0 $0xF7A, s2;
	p2 =	seq.s32 @!p0 s5, $0x0  }
0x1f: {  	s9 =	smul.u32 $0xF7A, s1;
	s8 =	simm.s32 @!p0 $0x1BF5;
	p2 =	por !p2, p0  }
0x20: {  	[sflag:s8] =	ssyncset.s32 @!p0 $0xFFFFF086;
	s6 =	sadd.s32 @!p0 s3, s7;
	s7 =	simm.s32 @!p0 $0x108  }
0x21: {  	s3 =	sadd.s32 s3, s9;
	s6 =	sadd.s32 @!p0 $0x88, s6;
	s7 =	simm.s32 @p2 $0x1082  }
0x22: {  	[simem:s7], [sflag:s8] =	dma.local @!p0 [hbm:s6], $0xF7A  }
0x23: {  	s9 =	sor.u32 $0xD0000000, s2;
	s6 =	simm.s32 $0x108;
	_ =	swait.ge @!p0 [sflag:s8], $0x0  }
0x24: {  	s3 =	sadd.s32 $0x88, s3;
	s6 =	simm.s32 @!p1 $0x1082;
	[sflag:s4] =	ssyncset.s32 $0xFFFFF086  }
0x25: {  	[simem:s6], [sflag:s4] =	dma.local [hbm:s3], $0xF7A  }
0x26: {  	[smem:$0x3F9A] =	sst s1;
	(tag) =	ssettag s2;
	_ =	strace s9  }
0x27: {  	s1 =	sld [smem:$0x3FAA]  }
0x28: {  	s2 =	sld [smem:$0x3FAB]  }
0x29: {  	s4 =	sld [smem:$0x3FAD]  }
0x2a: {  	p0 =	seq.s32 s5, $0x0;
	s5 =	sld [smem:$0x3FAE]  }
0x2b: {  	s6 =	sld [smem:$0x3FAF]  }
0x2c: {  	s7 =	sld [smem:$0x3FB0]  }
0x2d: {  	s3 =	simm.s32 $0x108;
	s8 =	sld [smem:$0x3FB1]  }
0x2e: {  	s3 =	simm.s32 @!p0 $0x1082;
	s9 =	sld [smem:$0x3FB2]  }
0x2f: {  	lr =	sadd.s32 s0, s3;
	s0 =	sld [smem:$0x3FA9]  }
0x30: {  	s3 =	sld [smem:$0x3FAC]  }
0x31: {  	[smem:$0x3FB5] =	sst s10  }
0x32: {  	s10 =	sld [smem:$0x3FB3];
	_ =	sdelay $0x3  }
0x33: {  	p0 =	seq.s32 s10, $0x1;
	s10 =	sld [smem:$0x3FB5];
	_ =	sdelay $0x3  }
0x34: {  	[smem:$0x3FB5] =	sst s10  }
0x35: {  	s10 =	sld [smem:$0x3FB4];
	_ =	sdelay $0x3  }
0x36: {  	p1 =	seq.s32 s10, $0x1;
	s10 =	sld [smem:$0x3FB5];
	_ =	sdelay $0x3  }
0x37: {  	[smem:$0x3FB5] =	sst s10  }
0x38: {  	s10 =	sld [smem:$0x3FB6]  }
0x39: {  	_ = 	snop;
	(pc) =	sbr.ind lr, $3  }
0x3a: {  	_ = 	snop  }
0x3b: {  	_ = 	snop  }
0x3c: {  	p2 =	seq.s32 s10, $0x1;
	s10 =	sld [smem:$0x3FB5]  }
0x3d: {  	_ =	shalt  }
0x3e: {  	_ =	shalt  }
0x3f: {  	_ =	shalt  }
0x40: {  	_ =	shalt  }
0x41: {  	_ =	shalt  }
0x42: {  	_ =	shalt  }
0x43: {  	_ =	shalt  }
0x44: {  	_ =	shalt  }
0x45: {  	_ =	shalt  }
0x46: {  	_ =	shalt  }
0x47: {  	_ =	shalt  }
0x48: {  	_ =	shalt  }
0x49: {  	_ =	shalt  }
0x4a: {  	_ =	shalt  }
0x4b: {  	_ =	shalt  }
0x4c: {  	_ =	shalt  }
0x4d: {  	_ =	shalt  }
0x4e: {  	_ =	shalt  }
0x4f: {  	_ =	shalt  }
0x50: {  	_ =	shalt  }
0x51: {  	_ =	shalt  }
0x52: {  	_ =	shalt  }
0x53: {  	_ =	shalt  }
0x54: {  	_ =	shalt  }
0x55: {  	_ =	shalt  }
0x56: {  	_ =	shalt  }
0x57: {  	_ =	shalt  }
0x58: {  	_ =	shalt  }
0x59: {  	_ =	shalt  }
0x5a: {  	_ =	shalt  }
0x5b: {  	_ =	shalt  }
0x5c: {  	_ =	shalt  }
0x5d: {  	_ =	shalt  }
0x5e: {  	_ =	shalt  }
0x5f: {  	_ =	shalt  }
0x60: {  	_ =	shalt  }
0x61: {  	_ =	shalt  }
0x62: {  	_ =	shalt  }
0x63: {  	_ =	shalt  }
0x64: {  	_ =	shalt  }
0x65: {  	_ =	shalt  }
0x66: {  	_ =	shalt  }
0x67: {  	_ =	shalt  }
0x68: {  	_ =	shalt  }
0x69: {  	_ =	shalt  }
0x6a: {  	_ =	shalt  }
0x6b: {  	_ =	shalt  }
0x6c: {  	_ =	shalt  }
0x6d: {  	_ =	shalt  }
0x6e: {  	_ =	shalt  }
0x6f: {  	_ =	shalt  }
0x70: {  	_ =	shalt  }
0x71: {  	_ =	shalt  }
0x72: {  	_ =	shalt  }
0x73: {  	_ =	shalt  }
0x74: {  	_ =	shalt  }
0x75: {  	_ =	shalt  }
0x76: {  	_ =	shalt  }
0x77: {  	_ =	shalt  }
0x78: {  	_ =	shalt  }
0x79: {  	_ =	shalt  }
0x7a: {  	_ =	shalt  }
0x7b: {  	_ =	shalt  }
0x7c: {  	_ =	shalt  }
0x7d: {  	_ =	shalt  }
0x7e: {  	_ =	shalt  }
0x7f: {  	_ =	shalt  }
0x80: {  	_ =	shalt  }
0x81: {  	_ =	shalt  }
0x82: {  	_ =	shalt  }
0x83: {  	_ =	shalt  }
0x84: {  	_ =	shalt  }
0x85: {  	_ =	shalt  }
0x86: {  	_ =	shalt  }
0x87: {  	_ =	shalt  }
.Lfunc_end0:
.L_simem_size_0:
called_computation_lowered:
.L_overlay_start_0:
0x88: {  	s2 =	sld [smem:$0x3FD9]  }
0x89: {  	s3 =	sld [smem:$0x3FFE];
	_ =	sdelay $0x1  }
0x8a: {  	s1 =	srdreg.scid  }
0x8b: {  	s0 =	sand.u32 $0x1, s1  }
0x8c: {  	s17 =	sshll.u32 s0, $0xA;
	s2 =	sadd.s32 s3, s2  }
0x8d: {  	s2 =	sadd.s32 s2, s17  }
0x8e: {  	[smem:$0x3FC1] =	sst s2  }
0x8f: {  	_ = 	snop  }
0x90: {  	s2 =	sld [smem:$0x3FC9]  }
0x91: {  	s18 =	sld [smem:$0x3FC3]  }
0x92: {  	s4 =	sld [smem:$0x3FD0];
	(tm) =	ssettm $0x1  }
0x93: {  	s5 =	sld [smem:$0x3FFB];
	_ =	sdelay $0x3  }
0x94: {  	_ =	strace s5  }
0x95: {  	s5 =	sld [smem:$0x3FFC];
	_ =	sdelay $0x3  }
0x96: {  	_ =	strace s5  }
0x97: {  	s5 =	sld [smem:$0x3FFD];
	_ =	sdelay $0x3  }
0x98: {  	_ =	strace s5  }
0x99: {  	_ =	strace $0x8FFFFFFF  }
0x9a: {  	s19 =	sld [smem:$0x3FDB];
	_ =	sdelay $0x1  }
0x9b: {  	s6 =	simm.s32 $_scs_section_size  }
0x9c: {  	s7 =	simm.s32 $_size__tile_overlayer_lowered;
	s8 =	simm.s32 $_tile_overlayer_lowered  }
0x9d: {  	s22 =	simm.s32 $0x1BFF;
	s21 =	sshll.u32 s8, $0x1;
	s5 =	sadd.s32 s6, s19  }
0x9e: {  	s9 =	simm.s32 $0x0;
	s20 =	sshll.u32 s7, $0x1;
	s7 =	sadd.s32 s21, s5  }
0x9f: {  	[timem:s9], [sflag:s22] =	dma.local [hbm:s7], s20  }
0xa0: {  	_ =	swait.ge [sflag:s22], s20  }
0xa1: {  	s6 =	ssub.s32 $0x0, s20;
	[sflag:s22] =	ssyncset.done $0x0  }
0xa2: {  	[sflag:s22] =	ssyncadd.s32 s6;
	_ =	sdelay $0x1  }
0xa3: {  	s23 =	simm.s32 $0x1B8B  }
0xa4: {  	_ =	swait.ge [sflag:s23], $0x1  }
0xa5: {  	[sflag:s23] =	ssyncset.done $0x0  }
0xa6: {  	s25 =	simm.s32 $0x1B8E;
	s24 =	sld [smem:$0x3FFE];
	[sflag:s23] =	ssyncadd.s32 $0xFFFFFFFF  }
0xa7: {  	s26 =	simm.s32 $execute0_lowered;
	[smem:$0x3FD2] =	sst s25  }
0xa8: {  	s7 =	sshll.u32 s26, $0x1;
	_ =	strace $0x80000046;
	[dreg:$0x1] =	wrdreg $0xFFFFFFFF  }
0xa9: {  	s28 =	simm.s32 $_size_execute0_lowered;
	s5 =	sadd.s32 s5, s7;
	[dreg:$0x0] =	wrdreg $0x0  }
0xaa: {  	s7 =	sshll.u32 s28, $0x1;
	[dreg:$0x2] =	wrdreg s5  }
0xab: {  	[dreg:$0x3] =	wrdreg s7  }
0xac: {  	[dreg:$0x4] =	wrdreg $0xC0  }
0xad: {  	_ =	task [dreg:s9], $0x5FFFF  }
0xae: {  	[dreg:$0x1] =	wrdreg $0xFFFFFFFF  }
0xaf: {  	[dreg:$0x0] =	wrdreg $0x60  }
0xb0: {  	[dreg:$0x2] =	wrdreg s2  }
0xb1: {  	[dreg:$0x3] =	wrdreg s18  }
0xb2: {  	[dreg:$0x4] =	wrdreg s24  }
0xb3: {  	[dreg:$0x5] =	wrdreg s4  }
0xb4: {  	[dreg:$0x6] =	wrdreg $0x9  }
0xb5: {  	_ =	task.clear_ibuf [dreg:s9], $0x7FFFF;
	_ =	strace $0x90000046  }
0xb6: {  	s29 =	simm.s32 $0x9;
	_ =	strace $0x80000048  }
0xb7: {  	_ =	swait.ge [sflag:s29], $0x1  }
0xb8: {  	[sflag:s29] =	ssyncadd.s32 $0xFFFFFFFF  }
0xb9: {  	_ =	strace $0x90000048  }
0xba: {  	_ =	sfence  }
0xbb: {  	s30 =	sld [smem:$0x0];
	_ =	sdelay $0x2  }
0xbc: {  	s31 =	sshll.u32 s1, $0xD;
	s1 =	sshrl.u32 s1, $0x2  }
0xbd: {  	s3 =	sand.u32 $0x4000, s31;
	s1 =	sadd.s32 s1, s30  }
0xbe: {  	s0 =	sor.u32 s3, s0;
	s1 =	sshll.u32 s1, $0x11  }
0xbf: {  	s0 =	sor.u32 s1, s0  }
0xc0: {  	s0 =	sadd.s32 $0x8F2B, s0  }
0xc1: {  	[sflag:s0] =	ssyncadd.remote.s32 $0x1  }
0xc2: {  	_ =	sfence.sel $0xFFFF  }
0xc3: {  	[dreg:$0x0] =	wrdreg $0xFFFFFFFF;
	(pc) =	sbr.abs _section_cstart, $3  }
0xc4: {  	[dreg:$0x1] =	wrdreg $0xFFFFFFFF  }
0xc5: {  	_ =	task.clear_ibuf [dreg:s9], $0x2FFFF;
	_ =	strace $0x9FFFFFFF  }
0xc6: {  	(tm) =	ssettm $0x7FFFFFFF  }
0xc7: {  	_ =	shalt  }
tec
execute0_lowered:
.L_overlay_start_1:
0x0: {  	(tag) =	ssettag $0x1  }
0x1: {  	s1 =	rddreg [dreg:$0x0]  }
0x2: {  	s2 =	rddreg [dreg:$0x1]  }
0x3: {  	s5 =	rddreg [dreg:$0x2]  }
0x4: {  	s3 =	rddreg [dreg:$0x3]  }
0x5: {  	s0 =	rddreg [dreg:$0x4]  }
0x6: {  	s4 =	simm.s32 $0x0;
	s6 =	srdreg.scid;
	s10 =	simm.s32 $0x80  }
0x7: {  	s11 =	simm.s32 $0x60;
	s12 =	simm.s32 $0x100;
	s13 =	simm.s32 $0x1  }
0x8: {  	s14 =	simm.s32 $0x3100;
	s15 =	simm.s32 $0x0;
	s7 =	sand.u32 $0x1, s6  }
0x9: {  	[smem:$0x7FF] =	sst s4;
	s6 =	sadd.s32 $0xE00, s5;
	s8 =	ssub.s32 $0x2, s7  }
0xa: {  	s5 =	stileid.u32;
	_ =	strace $0x80000047;
	s9 =	sshrl.u32 s8, $0x1  }
0xb: {  	s31 =	sshll.u32 s5, $0x8;
	s7 =	sshll.u32 s7, $0x7;
	s8 =	ssub.s32 s8, s9  }
0xc: {  	s7 =	sor.u32 s7, s31;
	s9 =	simm.s32 $0x2;
	s8 =	smax.u32 s8, $0x1  }
.LBB2_1:
0xd: {  	s16 =	simm.s32 $0x0  }
.LBB2_2:
0xe: {  	s17 =	sshll.u32 s16, $0x4  }
0xf: {  	s17 =	sadd.s32 s7, s17  }
0x10: {  	s18 =	smul.u32 $0x6, s17;
	_ =	sdelay $0x1  }
0x11: {  	s18 =	sshrl.u32 s18, $0x3  }
0x12: {  	s20 =	simm.s32 $0x0;
	s19 =	sadd.s32 s2, s18  }
0x13: {  	[tilespmem:s20], [sflag:$0x2] =	stream.linear.gather [hbm4b:s19+s20], $0x60, $0x38;
	[tilespmem:$0x3900] =	vst v63  }
0x14: {  	_ =	swait.ge [sflag:s9], $0x60  }
0x15: {  	[sflag:s9] =	ssyncset.done $0x0  }
0x16: {  	s18 =	sadd.s32 s6, s18;
	[sflag:s9] =	ssyncadd.s32 $0xFFFFFFA0  }
0x17: {  	[tilespmem:s10], [sflag:$0x2] =	stream.linear.gather [hbm4b:s18+s20], $0x60, $0x38;
	[tilespmem:$0x3900] =	vst v63  }
0x18: {  	_ =	swait.ge [sflag:s9], $0x60  }
0x19: {  	[sflag:s9] =	ssyncset.done $0x0  }
0x1a: {  	[sflag:s9] =	ssyncadd.s32 $0xFFFFFFA0  }
0x1b: {  	[tilespmem:s12], [sflag:$0x1] =	stream.indirect.gather [hbm4b:s1+s11], $0x80, s20, s11, $0xb8;
	[tilespmem:$0x3900] =	vst v63  }
0x1c: {  	_ =	swait.ge [sflag:s13], $0x3000  }
0x1d: {  	[sflag:s13] =	ssyncset.done $0x0  }
0x1e: {  	s31 =	simm.s32 $0x0;
	[sflag:s13] =	ssyncadd.s32 $0xFFFFD000  }
0x1f: {  	s18 =	simm.s32 $0x280;
	v3 =	vld [tilespmem:s31+$0x80]  }
0x20: {  	v0 =	vld [tilespmem:s18+$0xFFFFFE80]  }
0x21: {  	v5 =	vld [tilespmem:s18+$0xFFFFFF00];
	_ =	sdelay $0x1  }
0x22: {  	v6 =	vld [tilespmem:s18+$0xFFFFFF80]  }
0x23: {  	v4 =	vbroadcast v3, $0x0;
	v2 =	vbroadcast v3, $0x1  }
0x24: {  	v7 =	vld [tilespmem:s18+$0x0];
	v1 =	vbroadcast v3, $0x2  }
0x25: {  	v0 =	vmul.f32 v0, v4;
	v5 =	vmul.f32 v5, v2  }
0x26: {  	v8 =	vld [tilespmem:s18+$0x80]  }
0x27: {  	v6 =	vmul.f32 v6, v1;
	v9 =	vadd.f32 v5, v0;
	v5 =	vbroadcast v3, $0x3  }
0x28: {  	v10 =	vld [tilespmem:s18+$0x100]  }
0x29: {  	v0 =	vbroadcast v3, $0x4;
	v6 =	vadd.f32 v6, v9;
	v7 =	vmul.f32 v7, v5;
	_ =	sdelay $0x1  }
0x2a: {  	v3 =	vbroadcast v3, $0x5;
	v6 =	vadd.f32 v7, v6;
	v7 =	vmul.f32 v8, v0;
	_ =	sdelay $0x1  }
0x2b: {  	v6 =	vadd.f32 v7, v6;
	v7 =	vmul.f32 v10, v3;
	_ =	sdelay $0x1  }
0x2c: {  	v6 =	vadd.f32 v7, v6  }
0x2d: {  	s19 =	simm.s32 $0x3140  }
0x2e: {  	[tilespmem:s19+$0xFFFFFFC0] =	vst v6  }
0x2f: {  	v6 =	vld [tilespmem:s18+$0xFFFFFE90]  }
0x30: {  	v7 =	vld [tilespmem:s18+$0xFFFFFF10];
	_ =	sdelay $0x1  }
0x31: {  	v8 =	vld [tilespmem:s18+$0xFFFFFF90];
	_ =	sdelay $0x1  }
0x32: {  	v9 =	vld [tilespmem:s18+$0x10]  }
0x33: {  	v6 =	vmul.f32 v6, v4;
	v7 =	vmul.f32 v7, v2  }
0x34: {  	v10 =	vld [tilespmem:s18+$0x90]  }
0x35: {  	v6 =	vadd.f32 v7, v6;
	v7 =	vmul.f32 v8, v1  }
0x36: {  	v8 =	vld [tilespmem:s18+$0x110]  }
0x37: {  	v6 =	vadd.f32 v7, v6;
	v7 =	vmul.f32 v9, v5;
	_ =	sdelay $0x1  }
0x38: {  	v6 =	vadd.f32 v7, v6;
	v7 =	vmul.f32 v10, v0;
	_ =	sdelay $0x1  }
0x39: {  	v6 =	vadd.f32 v7, v6;
	v7 =	vmul.f32 v8, v3;
	_ =	sdelay $0x1  }
0x3a: {  	v6 =	vadd.f32 v7, v6;
	_ =	sdelay $0x1  }
0x3b: {  	[tilespmem:s19+$0xFFFFFFD0] =	vst v6  }
0x3c: {  	v6 =	vld [tilespmem:s18+$0xFFFFFEA0]  }
0x3d: {  	v7 =	vld [tilespmem:s18+$0xFFFFFF20];
	_ =	sdelay $0x1  }
0x3e: {  	v8 =	vld [tilespmem:s18+$0xFFFFFFA0];
	_ =	sdelay $0x1  }
0x3f: {  	v9 =	vld [tilespmem:s18+$0x20]  }
0x40: {  	v6 =	vmul.f32 v6, v4;
	v7 =	vmul.f32 v7, v2  }
0x41: {  	v10 =	vld [tilespmem:s18+$0xA0]  }
0x42: {  	v6 =	vadd.f32 v7, v6;
	v7 =	vmul.f32 v8, v1  }
0x43: {  	v8 =	vld [tilespmem:s18+$0x120]  }
0x44: {  	v6 =	vadd.f32 v7, v6;
	v7 =	vmul.f32 v9, v5;
	_ =	sdelay $0x1  }
0x45: {  	v6 =	vadd.f32 v7, v6;
	v7 =	vmul.f32 v10, v0;
	_ =	sdelay $0x1  }
0x46: {  	v6 =	vadd.f32 v7, v6;
	v7 =	vmul.f32 v8, v3;
	_ =	sdelay $0x1  }
0x47: {  	v6 =	vadd.f32 v7, v6;
	_ =	sdelay $0x1  }
0x48: {  	[tilespmem:s19+$0xFFFFFFE0] =	vst v6  }
0x49: {  	v6 =	vld [tilespmem:s18+$0xFFFFFEB0]  }
0x4a: {  	v7 =	vld [tilespmem:s18+$0xFFFFFF30];
	_ =	sdelay $0x1  }
0x4b: {  	v8 =	vld [tilespmem:s18+$0xFFFFFFB0];
	_ =	sdelay $0x1  }
0x4c: {  	v9 =	vld [tilespmem:s18+$0x30]  }
0x4d: {  	v6 =	vmul.f32 v6, v4;
	v7 =	vmul.f32 v7, v2  }
0x4e: {  	v10 =	vld [tilespmem:s18+$0xB0]  }
0x4f: {  	v6 =	vadd.f32 v7, v6;
	v7 =	vmul.f32 v8, v1  }
0x50: {  	v8 =	vld [tilespmem:s18+$0x130]  }
0x51: {  	v6 =	vadd.f32 v7, v6;
	v7 =	vmul.f32 v9, v5;
	_ =	sdelay $0x1  }
0x52: {  	v6 =	vadd.f32 v7, v6;
	v7 =	vmul.f32 v10, v0;
	_ =	sdelay $0x1  }
0x53: {  	v6 =	vadd.f32 v7, v6;
	v7 =	vmul.f32 v8, v3;
	_ =	sdelay $0x1  }
0x54: {  	v6 =	vadd.f32 v7, v6;
	_ =	sdelay $0x1  }
0x55: {  	[tilespmem:s19+$0xFFFFFFF0] =	vst v6  }
0x56: {  	v6 =	vld [tilespmem:s18+$0xFFFFFEC0]  }
0x57: {  	v7 =	vld [tilespmem:s18+$0xFFFFFF40];
	_ =	sdelay $0x1  }
0x58: {  	v8 =	vld [tilespmem:s18+$0xFFFFFFC0];
	_ =	sdelay $0x1  }
0x59: {  	v9 =	vld [tilespmem:s18+$0x40]  }
0x5a: {  	v6 =	vmul.f32 v6, v4;
	v7 =	vmul.f32 v7, v2  }
0x5b: {  	v10 =	vld [tilespmem:s18+$0xC0]  }
0x5c: {  	v6 =	vadd.f32 v7, v6;
	v7 =	vmul.f32 v8, v1  }
0x5d: {  	v8 =	vld [tilespmem:s18+$0x140]  }
0x5e: {  	v6 =	vadd.f32 v7, v6;
	v7 =	vmul.f32 v9, v5;
	_ =	sdelay $0x1  }
0x5f: {  	v6 =	vadd.f32 v7, v6;
	v7 =	vmul.f32 v10, v0;
	_ =	sdelay $0x1  }
0x60: {  	v6 =	vadd.f32 v7, v6;
	v7 =	vmul.f32 v8, v3;
	_ =	sdelay $0x1  }
0x61: {  	v6 =	vadd.f32 v7, v6;
	_ =	sdelay $0x1  }
0x62: {  	[tilespmem:s19+$0x0] =	vst v6  }
0x63: {  	v6 =	vld [tilespmem:s18+$0xFFFFFF50]  }
0x64: {  	v7 =	vld [tilespmem:s18+$0xFFFFFED0];
	_ =	sdelay $0x1  }
0x65: {  	v8 =	vld [tilespmem:s18+$0xFFFFFFD0];
	_ =	sdelay $0x1  }
0x66: {  	v9 =	vld [tilespmem:s18+$0x50]  }
0x67: {  	v6 =	vmul.f32 v6, v2;
	v7 =	vmul.f32 v7, v4  }
0x68: {  	v10 =	vld [tilespmem:s18+$0xD0]  }
0x69: {  	v8 =	vmul.f32 v8, v1;
	v6 =	vadd.f32 v6, v7  }
0x6a: {  	v7 =	vld [tilespmem:s18+$0x150]  }
0x6b: {  	v9 =	vmul.f32 v9, v5;
	v6 =	vadd.f32 v8, v6;
	_ =	sdelay $0x1  }
0x6c: {  	v8 =	vmul.f32 v10, v0;
	v6 =	vadd.f32 v9, v6;
	_ =	sdelay $0x1  }
0x6d: {  	v7 =	vmul.f32 v7, v3;
	v6 =	vadd.f32 v8, v6;
	_ =	sdelay $0x1  }
0x6e: {  	v6 =	vadd.f32 v7, v6;
	_ =	sdelay $0x1  }
0x6f: {  	[tilespmem:s19+$0x10] =	vst v6  }
0x70: {  	v6 =	vld [tilespmem:s18+$0xFFFFFEE0]  }
0x71: {  	v7 =	vld [tilespmem:s18+$0xFFFFFF60];
	_ =	sdelay $0x1  }
0x72: {  	v8 =	vld [tilespmem:s18+$0xFFFFFFE0];
	_ =	sdelay $0x1  }
0x73: {  	v9 =	vld [tilespmem:s18+$0x60]  }
0x74: {  	v6 =	vmul.f32 v6, v4;
	v7 =	vmul.f32 v7, v2  }
0x75: {  	v10 =	vld [tilespmem:s18+$0xE0]  }
0x76: {  	v8 =	vmul.f32 v8, v1;
	v6 =	vadd.f32 v7, v6  }
0x77: {  	v7 =	vld [tilespmem:s18+$0x160]  }
0x78: {  	v9 =	vmul.f32 v9, v5;
	v6 =	vadd.f32 v8, v6;
	_ =	sdelay $0x1  }
0x79: {  	v8 =	vmul.f32 v10, v0;
	v6 =	vadd.f32 v9, v6;
	_ =	sdelay $0x1  }
0x7a: {  	v7 =	vmul.f32 v7, v3;
	v6 =	vadd.f32 v8, v6;
	_ =	sdelay $0x1  }
0x7b: {  	v6 =	vadd.f32 v7, v6;
	_ =	sdelay $0x1  }
0x7c: {  	[tilespmem:s19+$0x20] =	vst v6  }
0x7d: {  	v10 =	vld [tilespmem:s18+$0xFFFFFEF0]  }
0x7e: {  	v9 =	vld [tilespmem:s18+$0xFFFFFF70]  }
0x7f: {  	v8 =	vld [tilespmem:s18+$0xFFFFFFF0]  }
0x80: {  	v6 =	vld [tilespmem:s18+$0x70]  }
0x81: {  	s21 =	simm.s32 $0x18;
	s20 =	simm.s32 $0x3140;
	v7 =	vld [tilespmem:s18+$0xF0]  }
.LBB2_3:
0x82: {  	p0 =	sne.s32 s21, $0x168;
	v4 =	vmul.f32 v10, v4;
	v10 =	vld [tilespmem:s18+$0x170];
	s19 =	sadd.s32 $0x80, s19;
	s18 =	sadd.s32 $0x300, s18  }
0x83: {  	s22 =	smov.u32 s21;
	s21 =	sadd.s32 $0x18, s21;
	v2 =	vmul.f32 v9, v2  }
0x84: {  	v1 =	vmul.f32 v8, v1  }
0x85: {  	v2 =	vadd.f32 v2, v4;
	v4 =	vmul.f32 v6, v5  }
0x86: {  	v0 =	vmul.f32 v7, v0  }
0x87: {  	v1 =	vadd.f32 v1, v2;
	v2 =	vmul.f32 v10, v3;
	_ =	sdelay $0x1  }
0x88: {  	s22 =	sshra.s32 s22, $0x2;
	v1 =	vadd.f32 v4, v1;
	_ =	sdelay $0x1  }
0x89: {  	v0 =	vadd.f32 v0, v1;
	_ =	sdelay $0x1  }
0x8a: {  	v0 =	vadd.f32 v2, v0;
	_ =	sdelay $0x1  }
0x8b: {  	[tilespmem:s20+$0x30] =	vst v0;
	s20 =	smov.u32 s19  }
0x8c: {  	v5 =	vld [tilespmem:s22+$0x80]  }
0x8d: {  	v3 =	vld [tilespmem:s18+$0xFFFFFE80]  }
0x8e: {  	v6 =	vld [tilespmem:s18+$0xFFFFFF00]  }
0x8f: {  	v7 =	vld [tilespmem:s18+$0x0]  }
0x90: {  	v8 =	vld [tilespmem:s18+$0xFFFFFF80]  }
0x91: {  	v4 =	vbroadcast v5, $0x0;
	v2 =	vbroadcast v5, $0x1  }
0x92: {  	v1 =	vbroadcast v5, $0x2;
	v0 =	vbroadcast v5, $0x4  }
0x93: {  	v9 =	vmul.f32 v3, v4;
	v6 =	vmul.f32 v6, v2  }
0x94: {  	v3 =	vbroadcast v5, $0x5;
	v10 =	vld [tilespmem:s18+$0x80]  }
0x95: {  	v5 =	vbroadcast v5, $0x3;
	v6 =	vadd.f32 v6, v9;
	v8 =	vmul.f32 v8, v1  }
0x96: {  	v9 =	vld [tilespmem:s18+$0x100]  }
0x97: {  	v7 =	vmul.f32 v7, v5;
	v6 =	vadd.f32 v8, v6;
	_ =	sdelay $0x1  }
0x98: {  	v6 =	vadd.f32 v7, v6;
	v7 =	vmul.f32 v10, v0;
	_ =	sdelay $0x1  }
0x99: {  	v6 =	vadd.f32 v7, v6;
	v7 =	vmul.f32 v9, v3;
	_ =	sdelay $0x1  }
0x9a: {  	v6 =	vadd.f32 v7, v6;
	_ =	sdelay $0x1  }
0x9b: {  	[tilespmem:s19+$0xFFFFFFC0] =	vst v6  }
0x9c: {  	v6 =	vld [tilespmem:s18+$0xFFFFFE90]  }
0x9d: {  	v7 =	vld [tilespmem:s18+$0xFFFFFF10];
	_ =	sdelay $0x1  }
0x9e: {  	v8 =	vld [tilespmem:s18+$0xFFFFFF90];
	_ =	sdelay $0x1  }
0x9f: {  	v6 =	vmul.f32 v6, v4;
	v9 =	vld [tilespmem:s18+$0x10]  }
0xa0: {  	v7 =	vmul.f32 v7, v2  }
0xa1: {  	v10 =	vld [tilespmem:s18+$0x90]  }
0xa2: {  	v6 =	vadd.f32 v7, v6;
	v7 =	vmul.f32 v8, v1  }
0xa3: {  	v8 =	vld [tilespmem:s18+$0x110]  }
0xa4: {  	v6 =	vadd.f32 v7, v6;
	v7 =	vmul.f32 v9, v5;
	_ =	sdelay $0x1  }
0xa5: {  	v6 =	vadd.f32 v7, v6;
	v7 =	vmul.f32 v10, v0;
	_ =	sdelay $0x1  }
0xa6: {  	v6 =	vadd.f32 v7, v6;
	v7 =	vmul.f32 v8, v3;
	_ =	sdelay $0x1  }
0xa7: {  	v6 =	vadd.f32 v7, v6;
	_ =	sdelay $0x1  }
0xa8: {  	[tilespmem:s19+$0xFFFFFFD0] =	vst v6  }
0xa9: {  	v6 =	vld [tilespmem:s18+$0xFFFFFEA0]  }
0xaa: {  	v7 =	vld [tilespmem:s18+$0xFFFFFF20];
	_ =	sdelay $0x1  }
0xab: {  	v8 =	vld [tilespmem:s18+$0xFFFFFFA0];
	_ =	sdelay $0x1  }
0xac: {  	v6 =	vmul.f32 v6, v4;
	v9 =	vld [tilespmem:s18+$0x20]  }
0xad: {  	v7 =	vmul.f32 v7, v2  }
0xae: {  	v10 =	vld [tilespmem:s18+$0xA0]  }
0xaf: {  	v6 =	vadd.f32 v7, v6;
	v7 =	vmul.f32 v8, v1  }
0xb0: {  	v8 =	vld [tilespmem:s18+$0x120]  }
0xb1: {  	v6 =	vadd.f32 v7, v6;
	v7 =	vmul.f32 v9, v5;
	_ =	sdelay $0x1  }
0xb2: {  	v6 =	vadd.f32 v7, v6;
	v7 =	vmul.f32 v10, v0;
	_ =	sdelay $0x1  }
0xb3: {  	v6 =	vadd.f32 v7, v6;
	v7 =	vmul.f32 v8, v3;
	_ =	sdelay $0x1  }
0xb4: {  	v6 =	vadd.f32 v7, v6;
	_ =	sdelay $0x1  }
0xb5: {  	[tilespmem:s19+$0xFFFFFFE0] =	vst v6  }
0xb6: {  	v6 =	vld [tilespmem:s18+$0xFFFFFEB0]  }
0xb7: {  	v7 =	vld [tilespmem:s18+$0xFFFFFF30];
	_ =	sdelay $0x1  }
0xb8: {  	v8 =	vld [tilespmem:s18+$0xFFFFFFB0];
	_ =	sdelay $0x1  }
0xb9: {  	v6 =	vmul.f32 v6, v4;
	v9 =	vld [tilespmem:s18+$0x30]  }
0xba: {  	v7 =	vmul.f32 v7, v2  }
0xbb: {  	v10 =	vld [tilespmem:s18+$0xB0]  }
0xbc: {  	v6 =	vadd.f32 v7, v6;
	v7 =	vmul.f32 v8, v1  }
0xbd: {  	v8 =	vld [tilespmem:s18+$0x130]  }
0xbe: {  	v6 =	vadd.f32 v7, v6;
	v7 =	vmul.f32 v9, v5;
	_ =	sdelay $0x1  }
0xbf: {  	v6 =	vadd.f32 v7, v6;
	v7 =	vmul.f32 v10, v0;
	_ =	sdelay $0x1  }
0xc0: {  	v6 =	vadd.f32 v7, v6;
	v7 =	vmul.f32 v8, v3;
	_ =	sdelay $0x1  }
0xc1: {  	v6 =	vadd.f32 v7, v6;
	_ =	sdelay $0x1  }
0xc2: {  	[tilespmem:s19+$0xFFFFFFF0] =	vst v6  }
0xc3: {  	v6 =	vld [tilespmem:s18+$0xFFFFFEC0]  }
0xc4: {  	v7 =	vld [tilespmem:s18+$0xFFFFFF40];
	_ =	sdelay $0x1  }
0xc5: {  	v8 =	vld [tilespmem:s18+$0xFFFFFFC0];
	_ =	sdelay $0x1  }
0xc6: {  	v6 =	vmul.f32 v6, v4;
	v9 =	vld [tilespmem:s18+$0x40]  }
0xc7: {  	v7 =	vmul.f32 v7, v2  }
0xc8: {  	v10 =	vld [tilespmem:s18+$0xC0]  }
0xc9: {  	v6 =	vadd.f32 v7, v6;
	v7 =	vmul.f32 v8, v1  }
0xca: {  	v8 =	vld [tilespmem:s18+$0x140]  }
0xcb: {  	v6 =	vadd.f32 v7, v6;
	v7 =	vmul.f32 v9, v5;
	_ =	sdelay $0x1  }
0xcc: {  	v6 =	vadd.f32 v7, v6;
	v7 =	vmul.f32 v10, v0;
	_ =	sdelay $0x1  }
0xcd: {  	v6 =	vadd.f32 v7, v6;
	v7 =	vmul.f32 v8, v3;
	_ =	sdelay $0x1  }
0xce: {  	v6 =	vadd.f32 v7, v6;
	_ =	sdelay $0x1  }
0xcf: {  	[tilespmem:s19+$0x0] =	vst v6  }
0xd0: {  	v6 =	vld [tilespmem:s18+$0xFFFFFF50]  }
0xd1: {  	v7 =	vld [tilespmem:s18+$0xFFFFFED0]  }
0xd2: {  	v8 =	vld [tilespmem:s18+$0xFFFFFFD0]  }
0xd3: {  	v9 =	vld [tilespmem:s18+$0x50]  }
0xd4: {  	v10 =	vld [tilespmem:s18+$0xD0]  }
0xd5: {  	v6 =	vmul.f32 v6, v2;
	v11 =	vld [tilespmem:s18+$0x150]  }
0xd6: {  	v7 =	vmul.f32 v7, v4  }
0xd7: {  	v8 =	vmul.f32 v8, v1  }
0xd8: {  	v6 =	vadd.f32 v6, v7;
	v7 =	vmul.f32 v9, v5  }
0xd9: {  	v9 =	vmul.f32 v10, v0  }
0xda: {  	v6 =	vadd.f32 v8, v6;
	v8 =	vmul.f32 v11, v3;
	_ =	sdelay $0x1  }
0xdb: {  	v6 =	vadd.f32 v7, v6;
	_ =	sdelay $0x1  }
0xdc: {  	v6 =	vadd.f32 v9, v6;
	_ =	sdelay $0x1  }
0xdd: {  	v6 =	vadd.f32 v8, v6;
	_ =	sdelay $0x1  }
0xde: {  	[tilespmem:s19+$0x10] =	vst v6  }
0xdf: {  	v6 =	vld [tilespmem:s18+$0xFFFFFEE0]  }
0xe0: {  	v7 =	vld [tilespmem:s18+$0xFFFFFF60]  }
0xe1: {  	v8 =	vld [tilespmem:s18+$0xFFFFFFE0]  }
0xe2: {  	v9 =	vld [tilespmem:s18+$0x60]  }
0xe3: {  	v10 =	vld [tilespmem:s18+$0xE0]  }
0xe4: {  	v6 =	vmul.f32 v6, v4;
	v11 =	vld [tilespmem:s18+$0x160]  }
0xe5: {  	v7 =	vmul.f32 v7, v2  }
0xe6: {  	v8 =	vmul.f32 v8, v1  }
0xe7: {  	v6 =	vadd.f32 v7, v6;
	v7 =	vmul.f32 v9, v5  }
0xe8: {  	v9 =	vmul.f32 v10, v0  }
0xe9: {  	v6 =	vadd.f32 v8, v6;
	v8 =	vmul.f32 v11, v3;
	_ =	sdelay $0x1  }
0xea: {  	v6 =	vadd.f32 v7, v6;
	_ =	sdelay $0x1  }
0xeb: {  	v6 =	vadd.f32 v9, v6;
	_ =	sdelay $0x1  }
0xec: {  	v6 =	vadd.f32 v8, v6;
	_ =	sdelay $0x1  }
0xed: {  	[tilespmem:s19+$0x20] =	vst v6  }
.Ltmp0:
0xee: {  	v10 =	vld [tilespmem:s18+$0xFFFFFEF0];
	(pc) =	sbr.rel @p0 .LBB2_3-.Ltmp0, $4  }
0xef: {  	v9 =	vld [tilespmem:s18+$0xFFFFFF70]  }
0xf0: {  	v8 =	vld [tilespmem:s18+$0xFFFFFFF0]  }
0xf1: {  	v6 =	vld [tilespmem:s18+$0x70]  }
0xf2: {  	v7 =	vld [tilespmem:s18+$0xF0]  }
0xf3: {  	_ = 	snop  }
0xf4: {  	v4 =	vmul.f32 v10, v4;
	v2 =	vmul.f32 v9, v2;
	_ =	sdelay $0x1  }
0xf5: {  	v1 =	vmul.f32 v8, v1;
	v2 =	vadd.f32 v2, v4  }
0xf6: {  	v62 =	vld [tilespmem:s18+$0x170]  }
0xf7: {  	v5 =	vmul.f32 v6, v5;
	v1 =	vadd.f32 v1, v2;
	_ =	sdelay $0x1  }
0xf8: {  	v0 =	vmul.f32 v7, v0;
	v1 =	vadd.f32 v5, v1;
	_ =	sdelay $0x1  }
0xf9: {  	v63 =	vmul.f32 v62, v3;
	v0 =	vadd.f32 v0, v1;
	_ =	sdelay $0x1  }
0xfa: {  	s16 =	sadd.s32 $0x1, s16;
	v0 =	vadd.f32 v63, v0  }
0xfb: {  	s17 =	sshll.u32 s17, $0x4;
	p0 =	sne.s32 s16, $0x8  }
.Ltmp1:
0xfc: {  	s17 =	sadd.s32 s3, s17;
	[tilespmem:s20+$0x30] =	vst v0;
	(pc) =	sbr.rel @p0 .LBB2_2-.Ltmp1, $4  }
0xfd: {  	[hbm4b:s17+s4] =	stream.linear.scatter [tilespmem:s14], [sflag:$0x2], $0x800, $0x38;
	[tilespmem:$0x3900] =	vst v63  }
0xfe: {  	_ =	swait.ge [sflag:s9], $0x800  }
0xff: {  	[sflag:s9] =	ssyncset.done $0x0  }
0x100: {  	[sflag:s9] =	ssyncadd.s32 $0xFFFFF800  }
0x101: {  	s15 =	sadd.s32 $0x1, s15  }
0x102: {  	p0 =	sne.s32 s15, s8  }
.Ltmp2:
0x103: {  	_ = 	snop;
	(pc) =	sbr.rel @p0 .LBB2_1-.Ltmp2, $1  }
0x104: {  	_ =	sdelay $0x3  }
0x105: {  	_ =	sfence.sel $0x180000  }
0x106: {  	[bflag:$0x0] =	sbarrier.arrive $0xFFFF  }
0x107: {  	p0 =	sne.s32 s5, $0x0;
	_ =	strace $0x90000047  }
0x108: {  	s0 =	sadd.s32 @!p0 $0x100000, s0;
	[bflag:$0x2] =	sbarrier.arrive $0xFFFF  }
0x109: {  	[sflag:s0] =	ssyncadd.tile.s32 @!p0 $0x1;
	_ =	shalt  }
.Lfunc_end2:
_tile_overlayer_lowered:
.L_overlay_start_2:
0x10a: {  	(tag) =	ssettag $0x2  }
0x10b: {  	s0 =	rddreg [dreg:$0x0];
	s2 =	stileid.u32  }
0x10c: {  	s1 =	rddreg [dreg:$0x1];
	p0 =	sne.s32 s2, $0x0  }
0x10d: {  	s3 =	rddreg [dreg:$0x2];
	[bflag:$0x3] =	sbarrier.arrive $0xFFFF;
	s2 =	simm.s32 @!p0 $0x1C02  }
0x10e: {  	[timem:s3], [sflag:s2] =	dma.local @!p0 [hbm:s0], s1  }
0x10f: {  	s0 =	simm.s32 @!p0 $0x2  }
0x110: {  	_ =	swait.ge @!p0 [sflag:s0], s1  }
0x111: {  	s1 =	ssub.s32 @!p0 $0x0, s1;
	[sflag:s0] =	ssyncset.done @!p0 $0x0  }
0x112: {  	[sflag:s0] =	ssyncadd.s32 @!p0 s1  }
0x113: {  	[bflag:$0x3] =	sbarrier.arrive $0xFFFF  }
0x114: {  	_ =	shalt  }

</sc_bundles>
